<compile_context>
chip_gen: v7x
topology: tpu7x:2x2x1
jax: 0.10.2.dev20260603
libtpu: 0.0.44.dev20260713+nightly
codegen_flags: <defaults>
</compile_context>

<pallas_src>
import functools
import math

import jax
import jax.numpy as jnp
from jax import lax
from jax.experimental import pallas as pl
from jax.experimental.pallas import tpu as pltpu
from jax.experimental.pallas import tpu_sc as plsc

_LOG2PI = math.log(2.0 * math.pi)
_NT = (((1,), (1,)), ((), ()))


def _tc_body(x_ref, mm_ref, ls_ref, lw_ref, cent_ref,
             out_ref, wa_s, wb_s, cc_s):
    C = cent_ref.shape[0]
    CK = mm_ref.shape[0]
    D = mm_ref.shape[1]
    K = CK // C

    @pl.when(pl.program_id(0) == 0)
    def _prep():
        iv = jnp.exp(-2.0 * ls_ref[...])
        mm = mm_ref[...]
        cent = cent_ref[...]
        wa_s[...] = jnp.concatenate(
            [mm * iv, -2.0 * cent], axis=0).astype(jnp.bfloat16)
        wb_s[...] = jnp.concatenate(
            [-0.5 * iv, jnp.ones((1, D), jnp.float32),
             jnp.zeros((C - 1, D), jnp.float32)],
            axis=0).astype(jnp.bfloat16)
        ones_row = jnp.ones((1, D), jnp.bfloat16)
        cst = lax.dot_general(
            ones_row, (-0.5 * mm * mm * iv - ls_ref[...]).astype(jnp.bfloat16),
            _NT, preferred_element_type=jnp.float32)
        cst = cst + lw_ref[...] - 0.5 * D * _LOG2PI
        c2 = lax.dot_general(ones_row, (cent * cent).astype(jnp.bfloat16),
                             _NT, preferred_element_type=jnp.float32)
        cc_s[...] = jnp.concatenate([cst, c2], axis=1)

    x = x_ref[...]
    x2 = x * x
    z1 = lax.dot_general(x.astype(jnp.bfloat16), wa_s[...], _NT,
                         preferred_element_type=jnp.float32)
    z2 = lax.dot_general(x2.astype(jnp.bfloat16), wb_s[...], _NT,
                         preferred_element_type=jnp.float32)
    cc = cc_s[...]
    scores = z2[:, CK:CK + 1] + z1[:, CK:] + cc[:, CK:]
    lp = z1[:, :CK] + z2[:, :CK] + cc[:, :CK]
    lpt = lp.T
    ms, ss = [], []
    for c in range(C):
        seg = lpt[c * K:(c + 1) * K, :]
        m = jnp.max(seg, axis=0, keepdims=True)
        ms.append(m)
        ss.append(jnp.sum(jnp.exp(seg - m), axis=0, keepdims=True))
    lls_t = (jnp.log(jnp.concatenate(ss, axis=0))
             + jnp.concatenate(ms, axis=0))
    out_ref[...] = jnp.concatenate([scores.T, lls_t], axis=0)


def _tc_stage(x, mm2d, ls2d, lw_row, cent, tb):
    B, D = x.shape
    CK = mm2d.shape[0]
    C = cent.shape[0]
    return pl.pallas_call(
        _tc_body,
        grid=(B // tb,),
        in_specs=[
            pl.BlockSpec((tb, D), lambda i: (i, 0)),
            pl.BlockSpec((CK, D), lambda i: (0, 0)),
            pl.BlockSpec((CK, D), lambda i: (0, 0)),
            pl.BlockSpec((1, CK), lambda i: (0, 0)),
            pl.BlockSpec((C, D), lambda i: (0, 0)),
        ],
        out_specs=pl.BlockSpec((2 * C, tb), lambda i: (0, i)),
        out_shape=jax.ShapeDtypeStruct((2 * C, B), jnp.float32),
        scratch_shapes=[
            pltpu.VMEM((CK + C, D), jnp.bfloat16),
            pltpu.VMEM((CK + C, D), jnp.bfloat16),
            pltpu.VMEM((1, CK + C), jnp.float32),
        ],
    )(x, mm2d, ls2d, lw_row, cent)


def _sc_stage(tc_out, n_clusters):
    w, B = tc_out.shape
    nc = n_clusters
    info = plsc.get_sparse_core_info()
    nw = info.num_cores * info.num_subcores
    pb = B // nw
    mesh = plsc.VectorSubcoreMesh(core_axis_name="c", subcore_axis_name="s")

    @functools.partial(
        pl.kernel,
        mesh=mesh,
        out_type=jax.ShapeDtypeStruct((B,), jnp.float32),
        scratch_types=[
            pltpu.VMEM((pb * w,), jnp.float32),
            pltpu.VMEM((pb,), jnp.float32),
            pltpu.SemaphoreType.DMA,
        ],
        compiler_params=pltpu.CompilerParams(needs_layout_passes=False),
    )
    def sc_kernel(src_hbm, out_hbm, buf_v, res_v, sem):
        wid = lax.axis_index("s") * info.num_cores + lax.axis_index("c")
        base = wid * pb
        copies = [pltpu.async_copy(src_hbm.at[r, pl.ds(base, pb)],
                                   buf_v.at[pl.ds(r * pb, pb)], sem)
                  for r in range(w)]
        for cp in copies:
            cp.wait()

        def body(i, carry):
            p = i * 16 + jax.lax.iota(jnp.int32, 16)
            besti = jnp.zeros((16,), jnp.int32)
            bestv = plsc.load_gather(buf_v, [p])
            for c in range(1, nc):
                v = plsc.load_gather(buf_v, [c * pb + p])
                m = v < bestv
                bestv = jnp.where(m, v, bestv)
                besti = jnp.where(m, jnp.full((16,), c, jnp.int32), besti)
            ll = plsc.load_gather(buf_v, [(besti + nc) * pb + p])
            res_v[pl.ds(i * 16, 16)] = ll
            return carry

        lax.fori_loop(0, pb // 16, body, 0)
        pltpu.sync_copy(res_v, out_hbm.at[pl.ds(base, pb)])

    return sc_kernel(tc_out)


def kernel(x, centroids, means, log_stds, log_weights):
    B, D = x.shape
    C, K, _ = means.shape
    mm2d = means.reshape(C * K, D)
    ls2d = log_stds.reshape(C * K, D)
    lw_row = log_weights.reshape(1, C * K)
    tc_out = _tc_stage(x, mm2d, ls2d, lw_row, centroids, tb=2048)
    return _sc_stage(tc_out, C)

# --- scband reference (transcript-rebuilt; emitter-appended) ---
"""Pipeline reference for scband-einet-mixture-55344948576523 (READ-ONLY COPY).

The authoritative reference and input builder live on the scoring server;
editing this copy changes nothing except your own understanding.
"""

import jax, jax.numpy as jnp
import numpy as np

B = 8192   # number of data points (2 * 4096 tokens)
D = 1024   # num_features
C = 8      # n_components (number of Einet experts)
K = 16     # leaf mixture components per Einet


def setup_inputs(seed: int = 0) -> dict:
    key = jax.random.key(seed)
    ks = jax.random.split(key, 5)
    x = jax.random.normal(ks[0], (B, D), dtype=jnp.float32)
    # learned/initialized parameters of EinetMixture:
    # kmeans centroids (nn.Parameter, [n_components, num_features])
    centroids = jax.random.normal(ks[1], (C, D), dtype=jnp.float32)
    # per-component Einet parameters (Gaussian-leaf sum-product circuit)
    means = jax.random.normal(ks[2], (C, K, D), dtype=jnp.float32)
    log_stds = 0.1 * jax.random.normal(ks[3], (C, K, D), dtype=jnp.float32)
    log_weights = jax.nn.log_softmax(
        jax.random.normal(ks[4], (C, K), dtype=jnp.float32), axis=-1)
    return {
        "x": x,
        "centroids": centroids,
        "means": means,
        "log_stds": log_stds,
        "log_weights": log_weights,
    }


def reference(x, centroids, means, log_stds, log_weights):
    # ---- _predict_cluster: kmeans max_sim (euclidean) == nearest centroid ----
    d2 = ((x * x).sum(axis=1, keepdims=True)
          - 2.0 * (x @ centroids.T)
          + (centroids * centroids).sum(axis=1)[None, :])  # [B, C]
    cluster = jnp.argmin(d2, axis=1)  # [B] int cluster indices

    # ---- route each data point through its cluster's Einet ----
    # Einet LL: logsumexp_k( log w_k + sum_d Normal(x_d; mu_kd, sigma_kd).log_prob )
    # Computed for all components, then selected per point by cluster index,
    # which is mathematically identical to the per-cluster dispatch + re-permute
    # in the torch forward.
    inv_var = jnp.exp(-2.0 * log_stds)  # [C, K, D]
    x2 = x * x                          # [B, D]
    log2pi = jnp.log(2.0 * jnp.pi).astype(jnp.float32)

    def component_ll(mu, ls, iv, lw):
        # mu, ls, iv: [K, D]; lw: [K]
        a = x2 @ iv.T                       # [B, K]  sum_d x^2 / var
        b = x @ (mu * iv).T                 # [B, K]  sum_d x*mu / var
        c = (mu * mu * iv).sum(axis=-1)     # [K]     sum_d mu^2 / var
        logp = (-0.5 * (a - 2.0 * b + c[None, :])
                - ls.sum(axis=-1)[None, :]
                - 0.5 * D * log2pi)         # [B, K]
        return jax.scipy.special.logsumexp(logp + lw[None, :], axis=-1)  # [B]

    lls_all = jax.vmap(component_ll)(means, log_stds, inv_var, log_weights)  # [C, B]
    # gather the LL of the assigned component for each data point
    lls_sorted = jnp.take_along_axis(lls_all, cluster[None, :], axis=0)[0]  # [B]
    return lls_sorted

if __name__ == "__main__":
    import jax
    _d = setup_inputs()
    print(jax.jit(kernel)(*tuple(_d.values())))

</pallas_src>

<mosaic_0001>
#map = affine_map<(d0, d1) -> (0, 0)>
#map1 = affine_map<(d0, d1) -> (0)>
module attributes {stable_mosaic.version = 14 : i64} {
  func.func @sc_kernel(%arg0: i32, %arg1: i32, %arg2: memref<16x8192xf32, #tpu.memory_space<hbm>>, %arg3: memref<8192xf32, #tpu.memory_space<hbm>>, %arg4: memref<4096xf32, #tpu.memory_space<vmem>>, %arg5: memref<256xf32, #tpu.memory_space<vmem>>, %arg6: memref<!tpu.dma_semaphore, #tpu.memory_space<semaphore_mem>>) attributes {dimension_semantics = [#tpu.dimension_semantics<core_parallel>, #tpu.dimension_semantics<subcore_parallel>], iteration_bounds = array<i64: 2, 16>, scalar_prefetch = 0 : i64, scratch_operands = 3 : i64, tpu.core_type = #tpu.core_type<sc_vector_subcore>, window_params = [{transform_indices = #map}, {transform_indices = #map1}]} {
    %mul3A = arith.constant 2 : i32
    %mul3A_0 = arith.muli %arg1, %mul3A : i32
    %add3A = arith.addi %mul3A_0, %arg0 : i32
    %mul3A_1 = arith.constant 256 : i32
    %mul3A_2 = arith.muli %add3A, %mul3A_1 : i32
    %dma_start3A = arith.constant 0 : i32
    %dma_start3A_3 = arith.constant 0 : i32
    %dma_start3A_4 = tpu.memref_slice %arg4[%dma_start3A_3] : memref<4096xf32, #tpu.memory_space<vmem>> -> memref<256xf32, #tpu.memory_space<vmem>>
    %dma_start3A_5 = tpu.memref_slice %arg2[%dma_start3A, %mul3A_2] : memref<16x8192xf32, #tpu.memory_space<hbm>> -> memref<1x256xf32, #tpu.memory_space<hbm>>
    %dma_start3A_6 = tpu.memref_squeeze %dma_start3A_5 : memref<1x256xf32, #tpu.memory_space<hbm>> -> memref<256xf32, #tpu.memory_space<hbm>>
    %dma_start3A_7 = arith.constant 0 : i32
    %dma_start3A_8 = tpu.memref_slice %arg4[%dma_start3A_7] : memref<4096xf32, #tpu.memory_space<vmem>> -> memref<256xf32, #tpu.memory_space<vmem>>
    %dma_start3A_9 = tpu.memref_slice %arg2[%dma_start3A, %mul3A_2] : memref<16x8192xf32, #tpu.memory_space<hbm>> -> memref<1x256xf32, #tpu.memory_space<hbm>>
    %dma_start3A_10 = tpu.memref_squeeze %dma_start3A_9 : memref<1x256xf32, #tpu.memory_space<hbm>> -> memref<256xf32, #tpu.memory_space<hbm>>
    tpu.enqueue_dma source(%dma_start3A_10 : memref<256xf32, #tpu.memory_space<hbm>>) target(%dma_start3A_8 : memref<256xf32, #tpu.memory_space<vmem>>) target_semaphore(%arg6 : memref<!tpu.dma_semaphore, #tpu.memory_space<semaphore_mem>>)
    %dma_start3A_11 = arith.constant 1 : i32
    %dma_start3A_12 = arith.constant 256 : i32
    %dma_start3A_13 = tpu.memref_slice %arg4[%dma_start3A_12] : memref<4096xf32, #tpu.memory_space<vmem>> -> memref<256xf32, #tpu.memory_space<vmem>>
    %dma_start3A_14 = tpu.memref_slice %arg2[%dma_start3A_11, %mul3A_2] : memref<16x8192xf32, #tpu.memory_space<hbm>> -> memref<1x256xf32, #tpu.memory_space<hbm>>
    %dma_start3A_15 = tpu.memref_squeeze %dma_start3A_14 : memref<1x256xf32, #tpu.memory_space<hbm>> -> memref<256xf32, #tpu.memory_space<hbm>>
    %dma_start3A_16 = arith.constant 256 : i32
    %dma_start3A_17 = tpu.memref_slice %arg4[%dma_start3A_16] : memref<4096xf32, #tpu.memory_space<vmem>> -> memref<256xf32, #tpu.memory_space<vmem>>
    %dma_start3A_18 = tpu.memref_slice %arg2[%dma_start3A_11, %mul3A_2] : memref<16x8192xf32, #tpu.memory_space<hbm>> -> memref<1x256xf32, #tpu.memory_space<hbm>>
    %dma_start3A_19 = tpu.memref_squeeze %dma_start3A_18 : memref<1x256xf32, #tpu.memory_space<hbm>> -> memref<256xf32, #tpu.memory_space<hbm>>
    tpu.enqueue_dma source(%dma_start3A_19 : memref<256xf32, #tpu.memory_space<hbm>>) target(%dma_start3A_17 : memref<256xf32, #tpu.memory_space<vmem>>) target_semaphore(%arg6 : memref<!tpu.dma_semaphore, #tpu.memory_space<semaphore_mem>>)
    %dma_start3A_20 = arith.constant 2 : i32
    %dma_start3A_21 = arith.constant 512 : i32
    %dma_start3A_22 = tpu.memref_slice %arg4[%dma_start3A_21] : memref<4096xf32, #tpu.memory_space<vmem>> -> memref<256xf32, #tpu.memory_space<vmem>>
    %dma_start3A_23 = tpu.memref_slice %arg2[%dma_start3A_20, %mul3A_2] : memref<16x8192xf32, #tpu.memory_space<hbm>> -> memref<1x256xf32, #tpu.memory_space<hbm>>
    %dma_start3A_24 = tpu.memref_squeeze %dma_start3A_23 : memref<1x256xf32, #tpu.memory_space<hbm>> -> memref<256xf32, #tpu.memory_space<hbm>>
    %dma_start3A_25 = arith.constant 512 : i32
    %dma_start3A_26 = tpu.memref_slice %arg4[%dma_start3A_25] : memref<4096xf32, #tpu.memory_space<vmem>> -> memref<256xf32, #tpu.memory_space<vmem>>
    %dma_start3A_27 = tpu.memref_slice %arg2[%dma_start3A_20, %mul3A_2] : memref<16x8192xf32, #tpu.memory_space<hbm>> -> memref<1x256xf32, #tpu.memory_space<hbm>>
    %dma_start3A_28 = tpu.memref_squeeze %dma_start3A_27 : memref<1x256xf32, #tpu.memory_space<hbm>> -> memref<256xf32, #tpu.memory_space<hbm>>
    tpu.enqueue_dma source(%dma_start3A_28 : memref<256xf32, #tpu.memory_space<hbm>>) target(%dma_start3A_26 : memref<256xf32, #tpu.memory_space<vmem>>) target_semaphore(%arg6 : memref<!tpu.dma_semaphore, #tpu.memory_space<semaphore_mem>>)
    %dma_start3A_29 = arith.constant 3 : i32
    %dma_start3A_30 = arith.constant 768 : i32
    %dma_start3A_31 = tpu.memref_slice %arg4[%dma_start3A_30] : memref<4096xf32, #tpu.memory_space<vmem>> -> memref<256xf32, #tpu.memory_space<vmem>>
    %dma_start3A_32 = tpu.memref_slice %arg2[%dma_start3A_29, %mul3A_2] : memref<16x8192xf32, #tpu.memory_space<hbm>> -> memref<1x256xf32, #tpu.memory_space<hbm>>
    %dma_start3A_33 = tpu.memref_squeeze %dma_start3A_32 : memref<1x256xf32, #tpu.memory_space<hbm>> -> memref<256xf32, #tpu.memory_space<hbm>>
    %dma_start3A_34 = arith.constant 768 : i32
    %dma_start3A_35 = tpu.memref_slice %arg4[%dma_start3A_34] : memref<4096xf32, #tpu.memory_space<vmem>> -> memref<256xf32, #tpu.memory_space<vmem>>
    %dma_start3A_36 = tpu.memref_slice %arg2[%dma_start3A_29, %mul3A_2] : memref<16x8192xf32, #tpu.memory_space<hbm>> -> memref<1x256xf32, #tpu.memory_space<hbm>>
    %dma_start3A_37 = tpu.memref_squeeze %dma_start3A_36 : memref<1x256xf32, #tpu.memory_space<hbm>> -> memref<256xf32, #tpu.memory_space<hbm>>
    tpu.enqueue_dma source(%dma_start3A_37 : memref<256xf32, #tpu.memory_space<hbm>>) target(%dma_start3A_35 : memref<256xf32, #tpu.memory_space<vmem>>) target_semaphore(%arg6 : memref<!tpu.dma_semaphore, #tpu.memory_space<semaphore_mem>>)
    %dma_start3A_38 = arith.constant 4 : i32
    %dma_start3A_39 = arith.constant 1024 : i32
    %dma_start3A_40 = tpu.memref_slice %arg4[%dma_start3A_39] : memref<4096xf32, #tpu.memory_space<vmem>> -> memref<256xf32, #tpu.memory_space<vmem>>
    %dma_start3A_41 = tpu.memref_slice %arg2[%dma_start3A_38, %mul3A_2] : memref<16x8192xf32, #tpu.memory_space<hbm>> -> memref<1x256xf32, #tpu.memory_space<hbm>>
    %dma_start3A_42 = tpu.memref_squeeze %dma_start3A_41 : memref<1x256xf32, #tpu.memory_space<hbm>> -> memref<256xf32, #tpu.memory_space<hbm>>
    %dma_start3A_43 = arith.constant 1024 : i32
    %dma_start3A_44 = tpu.memref_slice %arg4[%dma_start3A_43] : memref<4096xf32, #tpu.memory_space<vmem>> -> memref<256xf32, #tpu.memory_space<vmem>>
    %dma_start3A_45 = tpu.memref_slice %arg2[%dma_start3A_38, %mul3A_2] : memref<16x8192xf32, #tpu.memory_space<hbm>> -> memref<1x256xf32, #tpu.memory_space<hbm>>
    %dma_start3A_46 = tpu.memref_squeeze %dma_start3A_45 : memref<1x256xf32, #tpu.memory_space<hbm>> -> memref<256xf32, #tpu.memory_space<hbm>>
    tpu.enqueue_dma source(%dma_start3A_46 : memref<256xf32, #tpu.memory_space<hbm>>) target(%dma_start3A_44 : memref<256xf32, #tpu.memory_space<vmem>>) target_semaphore(%arg6 : memref<!tpu.dma_semaphore, #tpu.memory_space<semaphore_mem>>)
    %dma_start3A_47 = arith.constant 5 : i32
    %dma_start3A_48 = arith.constant 1280 : i32
    %dma_start3A_49 = tpu.memref_slice %arg4[%dma_start3A_48] : memref<4096xf32, #tpu.memory_space<vmem>> -> memref<256xf32, #tpu.memory_space<vmem>>
    %dma_start3A_50 = tpu.memref_slice %arg2[%dma_start3A_47, %mul3A_2] : memref<16x8192xf32, #tpu.memory_space<hbm>> -> memref<1x256xf32, #tpu.memory_space<hbm>>
    %dma_start3A_51 = tpu.memref_squeeze %dma_start3A_50 : memref<1x256xf32, #tpu.memory_space<hbm>> -> memref<256xf32, #tpu.memory_space<hbm>>
    %dma_start3A_52 = arith.constant 1280 : i32
    %dma_start3A_53 = tpu.memref_slice %arg4[%dma_start3A_52] : memref<4096xf32, #tpu.memory_space<vmem>> -> memref<256xf32, #tpu.memory_space<vmem>>
    %dma_start3A_54 = tpu.memref_slice %arg2[%dma_start3A_47, %mul3A_2] : memref<16x8192xf32, #tpu.memory_space<hbm>> -> memref<1x256xf32, #tpu.memory_space<hbm>>
    %dma_start3A_55 = tpu.memref_squeeze %dma_start3A_54 : memref<1x256xf32, #tpu.memory_space<hbm>> -> memref<256xf32, #tpu.memory_space<hbm>>
    tpu.enqueue_dma source(%dma_start3A_55 : memref<256xf32, #tpu.memory_space<hbm>>) target(%dma_start3A_53 : memref<256xf32, #tpu.memory_space<vmem>>) target_semaphore(%arg6 : memref<!tpu.dma_semaphore, #tpu.memory_space<semaphore_mem>>)
    %dma_start3A_56 = arith.constant 6 : i32
    %dma_start3A_57 = arith.constant 1536 : i32
    %dma_start3A_58 = tpu.memref_slice %arg4[%dma_start3A_57] : memref<4096xf32, #tpu.memory_space<vmem>> -> memref<256xf32, #tpu.memory_space<vmem>>
    %dma_start3A_59 = tpu.memref_slice %arg2[%dma_start3A_56, %mul3A_2] : memref<16x8192xf32, #tpu.memory_space<hbm>> -> memref<1x256xf32, #tpu.memory_space<hbm>>
    %dma_start3A_60 = tpu.memref_squeeze %dma_start3A_59 : memref<1x256xf32, #tpu.memory_space<hbm>> -> memref<256xf32, #tpu.memory_space<hbm>>
    %dma_start3A_61 = arith.constant 1536 : i32
    %dma_start3A_62 = tpu.memref_slice %arg4[%dma_start3A_61] : memref<4096xf32, #tpu.memory_space<vmem>> -> memref<256xf32, #tpu.memory_space<vmem>>
    %dma_start3A_63 = tpu.memref_slice %arg2[%dma_start3A_56, %mul3A_2] : memref<16x8192xf32, #tpu.memory_space<hbm>> -> memref<1x256xf32, #tpu.memory_space<hbm>>
    %dma_start3A_64 = tpu.memref_squeeze %dma_start3A_63 : memref<1x256xf32, #tpu.memory_space<hbm>> -> memref<256xf32, #tpu.memory_space<hbm>>
    tpu.enqueue_dma source(%dma_start3A_64 : memref<256xf32, #tpu.memory_space<hbm>>) target(%dma_start3A_62 : memref<256xf32, #tpu.memory_space<vmem>>) target_semaphore(%arg6 : memref<!tpu.dma_semaphore, #tpu.memory_space<semaphore_mem>>)
    %dma_start3A_65 = arith.constant 7 : i32
    %dma_start3A_66 = arith.constant 1792 : i32
    %dma_start3A_67 = tpu.memref_slice %arg4[%dma_start3A_66] : memref<4096xf32, #tpu.memory_space<vmem>> -> memref<256xf32, #tpu.memory_space<vmem>>
    %dma_start3A_68 = tpu.memref_slice %arg2[%dma_start3A_65, %mul3A_2] : memref<16x8192xf32, #tpu.memory_space<hbm>> -> memref<1x256xf32, #tpu.memory_space<hbm>>
    %dma_start3A_69 = tpu.memref_squeeze %dma_start3A_68 : memref<1x256xf32, #tpu.memory_space<hbm>> -> memref<256xf32, #tpu.memory_space<hbm>>
    %dma_start3A_70 = arith.constant 1792 : i32
    %dma_start3A_71 = tpu.memref_slice %arg4[%dma_start3A_70] : memref<4096xf32, #tpu.memory_space<vmem>> -> memref<256xf32, #tpu.memory_space<vmem>>
    %dma_start3A_72 = tpu.memref_slice %arg2[%dma_start3A_65, %mul3A_2] : memref<16x8192xf32, #tpu.memory_space<hbm>> -> memref<1x256xf32, #tpu.memory_space<hbm>>
    %dma_start3A_73 = tpu.memref_squeeze %dma_start3A_72 : memref<1x256xf32, #tpu.memory_space<hbm>> -> memref<256xf32, #tpu.memory_space<hbm>>
    tpu.enqueue_dma source(%dma_start3A_73 : memref<256xf32, #tpu.memory_space<hbm>>) target(%dma_start3A_71 : memref<256xf32, #tpu.memory_space<vmem>>) target_semaphore(%arg6 : memref<!tpu.dma_semaphore, #tpu.memory_space<semaphore_mem>>)
    %dma_start3A_74 = arith.constant 8 : i32
    %dma_start3A_75 = arith.constant 2048 : i32
    %dma_start3A_76 = tpu.memref_slice %arg4[%dma_start3A_75] : memref<4096xf32, #tpu.memory_space<vmem>> -> memref<256xf32, #tpu.memory_space<vmem>>
    %dma_start3A_77 = tpu.memref_slice %arg2[%dma_start3A_74, %mul3A_2] : memref<16x8192xf32, #tpu.memory_space<hbm>> -> memref<1x256xf32, #tpu.memory_space<hbm>>
    %dma_start3A_78 = tpu.memref_squeeze %dma_start3A_77 : memref<1x256xf32, #tpu.memory_space<hbm>> -> memref<256xf32, #tpu.memory_space<hbm>>
    %dma_start3A_79 = arith.constant 2048 : i32
    %dma_start3A_80 = tpu.memref_slice %arg4[%dma_start3A_79] : memref<4096xf32, #tpu.memory_space<vmem>> -> memref<256xf32, #tpu.memory_space<vmem>>
    %dma_start3A_81 = tpu.memref_slice %arg2[%dma_start3A_74, %mul3A_2] : memref<16x8192xf32, #tpu.memory_space<hbm>> -> memref<1x256xf32, #tpu.memory_space<hbm>>
    %dma_start3A_82 = tpu.memref_squeeze %dma_start3A_81 : memref<1x256xf32, #tpu.memory_space<hbm>> -> memref<256xf32, #tpu.memory_space<hbm>>
    tpu.enqueue_dma source(%dma_start3A_82 : memref<256xf32, #tpu.memory_space<hbm>>) target(%dma_start3A_80 : memref<256xf32, #tpu.memory_space<vmem>>) target_semaphore(%arg6 : memref<!tpu.dma_semaphore, #tpu.memory_space<semaphore_mem>>)
    %dma_start3A_83 = arith.constant 9 : i32
    %dma_start3A_84 = arith.constant 2304 : i32
    %dma_start3A_85 = tpu.memref_slice %arg4[%dma_start3A_84] : memref<4096xf32, #tpu.memory_space<vmem>> -> memref<256xf32, #tpu.memory_space<vmem>>
    %dma_start3A_86 = tpu.memref_slice %arg2[%dma_start3A_83, %mul3A_2] : memref<16x8192xf32, #tpu.memory_space<hbm>> -> memref<1x256xf32, #tpu.memory_space<hbm>>
    %dma_start3A_87 = tpu.memref_squeeze %dma_start3A_86 : memref<1x256xf32, #tpu.memory_space<hbm>> -> memref<256xf32, #tpu.memory_space<hbm>>
    %dma_start3A_88 = arith.constant 2304 : i32
    %dma_start3A_89 = tpu.memref_slice %arg4[%dma_start3A_88] : memref<4096xf32, #tpu.memory_space<vmem>> -> memref<256xf32, #tpu.memory_space<vmem>>
    %dma_start3A_90 = tpu.memref_slice %arg2[%dma_start3A_83, %mul3A_2] : memref<16x8192xf32, #tpu.memory_space<hbm>> -> memref<1x256xf32, #tpu.memory_space<hbm>>
    %dma_start3A_91 = tpu.memref_squeeze %dma_start3A_90 : memref<1x256xf32, #tpu.memory_space<hbm>> -> memref<256xf32, #tpu.memory_space<hbm>>
    tpu.enqueue_dma source(%dma_start3A_91 : memref<256xf32, #tpu.memory_space<hbm>>) target(%dma_start3A_89 : memref<256xf32, #tpu.memory_space<vmem>>) target_semaphore(%arg6 : memref<!tpu.dma_semaphore, #tpu.memory_space<semaphore_mem>>)
    %dma_start3A_92 = arith.constant 10 : i32
    %dma_start3A_93 = arith.constant 2560 : i32
    %dma_start3A_94 = tpu.memref_slice %arg4[%dma_start3A_93] : memref<4096xf32, #tpu.memory_space<vmem>> -> memref<256xf32, #tpu.memory_space<vmem>>
    %dma_start3A_95 = tpu.memref_slice %arg2[%dma_start3A_92, %mul3A_2] : memref<16x8192xf32, #tpu.memory_space<hbm>> -> memref<1x256xf32, #tpu.memory_space<hbm>>
    %dma_start3A_96 = tpu.memref_squeeze %dma_start3A_95 : memref<1x256xf32, #tpu.memory_space<hbm>> -> memref<256xf32, #tpu.memory_space<hbm>>
    %dma_start3A_97 = arith.constant 2560 : i32
    %dma_start3A_98 = tpu.memref_slice %arg4[%dma_start3A_97] : memref<4096xf32, #tpu.memory_space<vmem>> -> memref<256xf32, #tpu.memory_space<vmem>>
    %dma_start3A_99 = tpu.memref_slice %arg2[%dma_start3A_92, %mul3A_2] : memref<16x8192xf32, #tpu.memory_space<hbm>> -> memref<1x256xf32, #tpu.memory_space<hbm>>
    %dma_start3A_100 = tpu.memref_squeeze %dma_start3A_99 : memref<1x256xf32, #tpu.memory_space<hbm>> -> memref<256xf32, #tpu.memory_space<hbm>>
    tpu.enqueue_dma source(%dma_start3A_100 : memref<256xf32, #tpu.memory_space<hbm>>) target(%dma_start3A_98 : memref<256xf32, #tpu.memory_space<vmem>>) target_semaphore(%arg6 : memref<!tpu.dma_semaphore, #tpu.memory_space<semaphore_mem>>)
    %dma_start3A_101 = arith.constant 11 : i32
    %dma_start3A_102 = arith.constant 2816 : i32
    %dma_start3A_103 = tpu.memref_slice %arg4[%dma_start3A_102] : memref<4096xf32, #tpu.memory_space<vmem>> -> memref<256xf32, #tpu.memory_space<vmem>>
    %dma_start3A_104 = tpu.memref_slice %arg2[%dma_start3A_101, %mul3A_2] : memref<16x8192xf32, #tpu.memory_space<hbm>> -> memref<1x256xf32, #tpu.memory_space<hbm>>
    %dma_start3A_105 = tpu.memref_squeeze %dma_start3A_104 : memref<1x256xf32, #tpu.memory_space<hbm>> -> memref<256xf32, #tpu.memory_space<hbm>>
    %dma_start3A_106 = arith.constant 2816 : i32
    %dma_start3A_107 = tpu.memref_slice %arg4[%dma_start3A_106] : memref<4096xf32, #tpu.memory_space<vmem>> -> memref<256xf32, #tpu.memory_space<vmem>>
    %dma_start3A_108 = tpu.memref_slice %arg2[%dma_start3A_101, %mul3A_2] : memref<16x8192xf32, #tpu.memory_space<hbm>> -> memref<1x256xf32, #tpu.memory_space<hbm>>
    %dma_start3A_109 = tpu.memref_squeeze %dma_start3A_108 : memref<1x256xf32, #tpu.memory_space<hbm>> -> memref<256xf32, #tpu.memory_space<hbm>>
    tpu.enqueue_dma source(%dma_start3A_109 : memref<256xf32, #tpu.memory_space<hbm>>) target(%dma_start3A_107 : memref<256xf32, #tpu.memory_space<vmem>>) target_semaphore(%arg6 : memref<!tpu.dma_semaphore, #tpu.memory_space<semaphore_mem>>)
    %dma_start3A_110 = arith.constant 12 : i32
    %dma_start3A_111 = arith.constant 3072 : i32
    %dma_start3A_112 = tpu.memref_slice %arg4[%dma_start3A_111] : memref<4096xf32, #tpu.memory_space<vmem>> -> memref<256xf32, #tpu.memory_space<vmem>>
    %dma_start3A_113 = tpu.memref_slice %arg2[%dma_start3A_110, %mul3A_2] : memref<16x8192xf32, #tpu.memory_space<hbm>> -> memref<1x256xf32, #tpu.memory_space<hbm>>
    %dma_start3A_114 = tpu.memref_squeeze %dma_start3A_113 : memref<1x256xf32, #tpu.memory_space<hbm>> -> memref<256xf32, #tpu.memory_space<hbm>>
    %dma_start3A_115 = arith.constant 3072 : i32
    %dma_start3A_116 = tpu.memref_slice %arg4[%dma_start3A_115] : memref<4096xf32, #tpu.memory_space<vmem>> -> memref<256xf32, #tpu.memory_space<vmem>>
    %dma_start3A_117 = tpu.memref_slice %arg2[%dma_start3A_110, %mul3A_2] : memref<16x8192xf32, #tpu.memory_space<hbm>> -> memref<1x256xf32, #tpu.memory_space<hbm>>
    %dma_start3A_118 = tpu.memref_squeeze %dma_start3A_117 : memref<1x256xf32, #tpu.memory_space<hbm>> -> memref<256xf32, #tpu.memory_space<hbm>>
    tpu.enqueue_dma source(%dma_start3A_118 : memref<256xf32, #tpu.memory_space<hbm>>) target(%dma_start3A_116 : memref<256xf32, #tpu.memory_space<vmem>>) target_semaphore(%arg6 : memref<!tpu.dma_semaphore, #tpu.memory_space<semaphore_mem>>)
    %dma_start3A_119 = arith.constant 13 : i32
    %dma_start3A_120 = arith.constant 3328 : i32
    %dma_start3A_121 = tpu.memref_slice %arg4[%dma_start3A_120] : memref<4096xf32, #tpu.memory_space<vmem>> -> memref<256xf32, #tpu.memory_space<vmem>>
    %dma_start3A_122 = tpu.memref_slice %arg2[%dma_start3A_119, %mul3A_2] : memref<16x8192xf32, #tpu.memory_space<hbm>> -> memref<1x256xf32, #tpu.memory_space<hbm>>
    %dma_start3A_123 = tpu.memref_squeeze %dma_start3A_122 : memref<1x256xf32, #tpu.memory_space<hbm>> -> memref<256xf32, #tpu.memory_space<hbm>>
    %dma_start3A_124 = arith.constant 3328 : i32
    %dma_start3A_125 = tpu.memref_slice %arg4[%dma_start3A_124] : memref<4096xf32, #tpu.memory_space<vmem>> -> memref<256xf32, #tpu.memory_space<vmem>>
    %dma_start3A_126 = tpu.memref_slice %arg2[%dma_start3A_119, %mul3A_2] : memref<16x8192xf32, #tpu.memory_space<hbm>> -> memref<1x256xf32, #tpu.memory_space<hbm>>
    %dma_start3A_127 = tpu.memref_squeeze %dma_start3A_126 : memref<1x256xf32, #tpu.memory_space<hbm>> -> memref<256xf32, #tpu.memory_space<hbm>>
    tpu.enqueue_dma source(%dma_start3A_127 : memref<256xf32, #tpu.memory_space<hbm>>) target(%dma_start3A_125 : memref<256xf32, #tpu.memory_space<vmem>>) target_semaphore(%arg6 : memref<!tpu.dma_semaphore, #tpu.memory_space<semaphore_mem>>)
    %dma_start3A_128 = arith.constant 14 : i32
    %dma_start3A_129 = arith.constant 3584 : i32
    %dma_start3A_130 = tpu.memref_slice %arg4[%dma_start3A_129] : memref<4096xf32, #tpu.memory_space<vmem>> -> memref<256xf32, #tpu.memory_space<vmem>>
    %dma_start3A_131 = tpu.memref_slice %arg2[%dma_start3A_128, %mul3A_2] : memref<16x8192xf32, #tpu.memory_space<hbm>> -> memref<1x256xf32, #tpu.memory_space<hbm>>
    %dma_start3A_132 = tpu.memref_squeeze %dma_start3A_131 : memref<1x256xf32, #tpu.memory_space<hbm>> -> memref<256xf32, #tpu.memory_space<hbm>>
    %dma_start3A_133 = arith.constant 3584 : i32
    %dma_start3A_134 = tpu.memref_slice %arg4[%dma_start3A_133] : memref<4096xf32, #tpu.memory_space<vmem>> -> memref<256xf32, #tpu.memory_space<vmem>>
    %dma_start3A_135 = tpu.memref_slice %arg2[%dma_start3A_128, %mul3A_2] : memref<16x8192xf32, #tpu.memory_space<hbm>> -> memref<1x256xf32, #tpu.memory_space<hbm>>
    %dma_start3A_136 = tpu.memref_squeeze %dma_start3A_135 : memref<1x256xf32, #tpu.memory_space<hbm>> -> memref<256xf32, #tpu.memory_space<hbm>>
    tpu.enqueue_dma source(%dma_start3A_136 : memref<256xf32, #tpu.memory_space<hbm>>) target(%dma_start3A_134 : memref<256xf32, #tpu.memory_space<vmem>>) target_semaphore(%arg6 : memref<!tpu.dma_semaphore, #tpu.memory_space<semaphore_mem>>)
    %dma_start3A_137 = arith.constant 15 : i32
    %dma_start3A_138 = arith.constant 3840 : i32
    %dma_start3A_139 = tpu.memref_slice %arg4[%dma_start3A_138] : memref<4096xf32, #tpu.memory_space<vmem>> -> memref<256xf32, #tpu.memory_space<vmem>>
    %dma_start3A_140 = tpu.memref_slice %arg2[%dma_start3A_137, %mul3A_2] : memref<16x8192xf32, #tpu.memory_space<hbm>> -> memref<1x256xf32, #tpu.memory_space<hbm>>
    %dma_start3A_141 = tpu.memref_squeeze %dma_start3A_140 : memref<1x256xf32, #tpu.memory_space<hbm>> -> memref<256xf32, #tpu.memory_space<hbm>>
    %dma_start3A_142 = arith.constant 3840 : i32
    %dma_start3A_143 = tpu.memref_slice %arg4[%dma_start3A_142] : memref<4096xf32, #tpu.memory_space<vmem>> -> memref<256xf32, #tpu.memory_space<vmem>>
    %dma_start3A_144 = tpu.memref_slice %arg2[%dma_start3A_137, %mul3A_2] : memref<16x8192xf32, #tpu.memory_space<hbm>> -> memref<1x256xf32, #tpu.memory_space<hbm>>
    %dma_start3A_145 = tpu.memref_squeeze %dma_start3A_144 : memref<1x256xf32, #tpu.memory_space<hbm>> -> memref<256xf32, #tpu.memory_space<hbm>>
    tpu.enqueue_dma source(%dma_start3A_145 : memref<256xf32, #tpu.memory_space<hbm>>) target(%dma_start3A_143 : memref<256xf32, #tpu.memory_space<vmem>>) target_semaphore(%arg6 : memref<!tpu.dma_semaphore, #tpu.memory_space<semaphore_mem>>)
    %dma_wait3A = arith.constant 0 : i32
    %dma_wait3A_146 = arith.constant 0 : i32
    %dma_wait3A_147 = tpu.memref_slice %arg4[%dma_wait3A_146] : memref<4096xf32, #tpu.memory_space<vmem>> -> memref<256xf32, #tpu.memory_space<vmem>>
    %dma_wait3A_148 = tpu.memref_slice %arg2[%dma_wait3A, %mul3A_2] : memref<16x8192xf32, #tpu.memory_space<hbm>> -> memref<1x256xf32, #tpu.memory_space<hbm>>
    %dma_wait3A_149 = tpu.memref_squeeze %dma_wait3A_148 : memref<1x256xf32, #tpu.memory_space<hbm>> -> memref<256xf32, #tpu.memory_space<hbm>>
    %dma_wait3A_150 = arith.constant 0 : i32
    %dma_wait3A_151 = tpu.memref_slice %arg4[%dma_wait3A_150] : memref<4096xf32, #tpu.memory_space<vmem>> -> memref<256xf32, #tpu.memory_space<vmem>>
    %dma_wait3A_152 = tpu.memref_slice %arg2[%dma_wait3A, %mul3A_2] : memref<16x8192xf32, #tpu.memory_space<hbm>> -> memref<1x256xf32, #tpu.memory_space<hbm>>
    %dma_wait3A_153 = tpu.memref_squeeze %dma_wait3A_152 : memref<1x256xf32, #tpu.memory_space<hbm>> -> memref<256xf32, #tpu.memory_space<hbm>>
    tpu.wait_dma2 semaphore(%arg6 : memref<!tpu.dma_semaphore, #tpu.memory_space<semaphore_mem>>) src(%dma_wait3A_153 : memref<256xf32, #tpu.memory_space<hbm>>) dst(%dma_wait3A_151 : memref<256xf32, #tpu.memory_space<vmem>>)
    %dma_wait3A_154 = arith.constant 1 : i32
    %dma_wait3A_155 = arith.constant 256 : i32
    %dma_wait3A_156 = tpu.memref_slice %arg4[%dma_wait3A_155] : memref<4096xf32, #tpu.memory_space<vmem>> -> memref<256xf32, #tpu.memory_space<vmem>>
    %dma_wait3A_157 = tpu.memref_slice %arg2[%dma_wait3A_154, %mul3A_2] : memref<16x8192xf32, #tpu.memory_space<hbm>> -> memref<1x256xf32, #tpu.memory_space<hbm>>
    %dma_wait3A_158 = tpu.memref_squeeze %dma_wait3A_157 : memref<1x256xf32, #tpu.memory_space<hbm>> -> memref<256xf32, #tpu.memory_space<hbm>>
    %dma_wait3A_159 = arith.constant 256 : i32
    %dma_wait3A_160 = tpu.memref_slice %arg4[%dma_wait3A_159] : memref<4096xf32, #tpu.memory_space<vmem>> -> memref<256xf32, #tpu.memory_space<vmem>>
    %dma_wait3A_161 = tpu.memref_slice %arg2[%dma_wait3A_154, %mul3A_2] : memref<16x8192xf32, #tpu.memory_space<hbm>> -> memref<1x256xf32, #tpu.memory_space<hbm>>
    %dma_wait3A_162 = tpu.memref_squeeze %dma_wait3A_161 : memref<1x256xf32, #tpu.memory_space<hbm>> -> memref<256xf32, #tpu.memory_space<hbm>>
    tpu.wait_dma2 semaphore(%arg6 : memref<!tpu.dma_semaphore, #tpu.memory_space<semaphore_mem>>) src(%dma_wait3A_162 : memref<256xf32, #tpu.memory_space<hbm>>) dst(%dma_wait3A_160 : memref<256xf32, #tpu.memory_space<vmem>>)
    %dma_wait3A_163 = arith.constant 2 : i32
    %dma_wait3A_164 = arith.constant 512 : i32
    %dma_wait3A_165 = tpu.memref_slice %arg4[%dma_wait3A_164] : memref<4096xf32, #tpu.memory_space<vmem>> -> memref<256xf32, #tpu.memory_space<vmem>>
    %dma_wait3A_166 = tpu.memref_slice %arg2[%dma_wait3A_163, %mul3A_2] : memref<16x8192xf32, #tpu.memory_space<hbm>> -> memref<1x256xf32, #tpu.memory_space<hbm>>
    %dma_wait3A_167 = tpu.memref_squeeze %dma_wait3A_166 : memref<1x256xf32, #tpu.memory_space<hbm>> -> memref<256xf32, #tpu.memory_space<hbm>>
    %dma_wait3A_168 = arith.constant 512 : i32
    %dma_wait3A_169 = tpu.memref_slice %arg4[%dma_wait3A_168] : memref<4096xf32, #tpu.memory_space<vmem>> -> memref<256xf32, #tpu.memory_space<vmem>>
    %dma_wait3A_170 = tpu.memref_slice %arg2[%dma_wait3A_163, %mul3A_2] : memref<16x8192xf32, #tpu.memory_space<hbm>> -> memref<1x256xf32, #tpu.memory_space<hbm>>
    %dma_wait3A_171 = tpu.memref_squeeze %dma_wait3A_170 : memref<1x256xf32, #tpu.memory_space<hbm>> -> memref<256xf32, #tpu.memory_space<hbm>>
    tpu.wait_dma2 semaphore(%arg6 : memref<!tpu.dma_semaphore, #tpu.memory_space<semaphore_mem>>) src(%dma_wait3A_171 : memref<256xf32, #tpu.memory_space<hbm>>) dst(%dma_wait3A_169 : memref<256xf32, #tpu.memory_space<vmem>>)
    %dma_wait3A_172 = arith.constant 3 : i32
    %dma_wait3A_173 = arith.constant 768 : i32
    %dma_wait3A_174 = tpu.memref_slice %arg4[%dma_wait3A_173] : memref<4096xf32, #tpu.memory_space<vmem>> -> memref<256xf32, #tpu.memory_space<vmem>>
    %dma_wait3A_175 = tpu.memref_slice %arg2[%dma_wait3A_172, %mul3A_2] : memref<16x8192xf32, #tpu.memory_space<hbm>> -> memref<1x256xf32, #tpu.memory_space<hbm>>
    %dma_wait3A_176 = tpu.memref_squeeze %dma_wait3A_175 : memref<1x256xf32, #tpu.memory_space<hbm>> -> memref<256xf32, #tpu.memory_space<hbm>>
    %dma_wait3A_177 = arith.constant 768 : i32
    %dma_wait3A_178 = tpu.memref_slice %arg4[%dma_wait3A_177] : memref<4096xf32, #tpu.memory_space<vmem>> -> memref<256xf32, #tpu.memory_space<vmem>>
    %dma_wait3A_179 = tpu.memref_slice %arg2[%dma_wait3A_172, %mul3A_2] : memref<16x8192xf32, #tpu.memory_space<hbm>> -> memref<1x256xf32, #tpu.memory_space<hbm>>
    %dma_wait3A_180 = tpu.memref_squeeze %dma_wait3A_179 : memref<1x256xf32, #tpu.memory_space<hbm>> -> memref<256xf32, #tpu.memory_space<hbm>>
    tpu.wait_dma2 semaphore(%arg6 : memref<!tpu.dma_semaphore, #tpu.memory_space<semaphore_mem>>) src(%dma_wait3A_180 : memref<256xf32, #tpu.memory_space<hbm>>) dst(%dma_wait3A_178 : memref<256xf32, #tpu.memory_space<vmem>>)
    %dma_wait3A_181 = arith.constant 4 : i32
    %dma_wait3A_182 = arith.constant 1024 : i32
    %dma_wait3A_183 = tpu.memref_slice %arg4[%dma_wait3A_182] : memref<4096xf32, #tpu.memory_space<vmem>> -> memref<256xf32, #tpu.memory_space<vmem>>
    %dma_wait3A_184 = tpu.memref_slice %arg2[%dma_wait3A_181, %mul3A_2] : memref<16x8192xf32, #tpu.memory_space<hbm>> -> memref<1x256xf32, #tpu.memory_space<hbm>>
    %dma_wait3A_185 = tpu.memref_squeeze %dma_wait3A_184 : memref<1x256xf32, #tpu.memory_space<hbm>> -> memref<256xf32, #tpu.memory_space<hbm>>
    %dma_wait3A_186 = arith.constant 1024 : i32
    %dma_wait3A_187 = tpu.memref_slice %arg4[%dma_wait3A_186] : memref<4096xf32, #tpu.memory_space<vmem>> -> memref<256xf32, #tpu.memory_space<vmem>>
    %dma_wait3A_188 = tpu.memref_slice %arg2[%dma_wait3A_181, %mul3A_2] : memref<16x8192xf32, #tpu.memory_space<hbm>> -> memref<1x256xf32, #tpu.memory_space<hbm>>
    %dma_wait3A_189 = tpu.memref_squeeze %dma_wait3A_188 : memref<1x256xf32, #tpu.memory_space<hbm>> -> memref<256xf32, #tpu.memory_space<hbm>>
    tpu.wait_dma2 semaphore(%arg6 : memref<!tpu.dma_semaphore, #tpu.memory_space<semaphore_mem>>) src(%dma_wait3A_189 : memref<256xf32, #tpu.memory_space<hbm>>) dst(%dma_wait3A_187 : memref<256xf32, #tpu.memory_space<vmem>>)
    %dma_wait3A_190 = arith.constant 5 : i32
    %dma_wait3A_191 = arith.constant 1280 : i32
    %dma_wait3A_192 = tpu.memref_slice %arg4[%dma_wait3A_191] : memref<4096xf32, #tpu.memory_space<vmem>> -> memref<256xf32, #tpu.memory_space<vmem>>
    %dma_wait3A_193 = tpu.memref_slice %arg2[%dma_wait3A_190, %mul3A_2] : memref<16x8192xf32, #tpu.memory_space<hbm>> -> memref<1x256xf32, #tpu.memory_space<hbm>>
    %dma_wait3A_194 = tpu.memref_squeeze %dma_wait3A_193 : memref<1x256xf32, #tpu.memory_space<hbm>> -> memref<256xf32, #tpu.memory_space<hbm>>
    %dma_wait3A_195 = arith.constant 1280 : i32
    %dma_wait3A_196 = tpu.memref_slice %arg4[%dma_wait3A_195] : memref<4096xf32, #tpu.memory_space<vmem>> -> memref<256xf32, #tpu.memory_space<vmem>>
    %dma_wait3A_197 = tpu.memref_slice %arg2[%dma_wait3A_190, %mul3A_2] : memref<16x8192xf32, #tpu.memory_space<hbm>> -> memref<1x256xf32, #tpu.memory_space<hbm>>
    %dma_wait3A_198 = tpu.memref_squeeze %dma_wait3A_197 : memref<1x256xf32, #tpu.memory_space<hbm>> -> memref<256xf32, #tpu.memory_space<hbm>>
    tpu.wait_dma2 semaphore(%arg6 : memref<!tpu.dma_semaphore, #tpu.memory_space<semaphore_mem>>) src(%dma_wait3A_198 : memref<256xf32, #tpu.memory_space<hbm>>) dst(%dma_wait3A_196 : memref<256xf32, #tpu.memory_space<vmem>>)
    %dma_wait3A_199 = arith.constant 6 : i32
    %dma_wait3A_200 = arith.constant 1536 : i32
    %dma_wait3A_201 = tpu.memref_slice %arg4[%dma_wait3A_200] : memref<4096xf32, #tpu.memory_space<vmem>> -> memref<256xf32, #tpu.memory_space<vmem>>
    %dma_wait3A_202 = tpu.memref_slice %arg2[%dma_wait3A_199, %mul3A_2] : memref<16x8192xf32, #tpu.memory_space<hbm>> -> memref<1x256xf32, #tpu.memory_space<hbm>>
    %dma_wait3A_203 = tpu.memref_squeeze %dma_wait3A_202 : memref<1x256xf32, #tpu.memory_space<hbm>> -> memref<256xf32, #tpu.memory_space<hbm>>
    %dma_wait3A_204 = arith.constant 1536 : i32
    %dma_wait3A_205 = tpu.memref_slice %arg4[%dma_wait3A_204] : memref<4096xf32, #tpu.memory_space<vmem>> -> memref<256xf32, #tpu.memory_space<vmem>>
    %dma_wait3A_206 = tpu.memref_slice %arg2[%dma_wait3A_199, %mul3A_2] : memref<16x8192xf32, #tpu.memory_space<hbm>> -> memref<1x256xf32, #tpu.memory_space<hbm>>
    %dma_wait3A_207 = tpu.memref_squeeze %dma_wait3A_206 : memref<1x256xf32, #tpu.memory_space<hbm>> -> memref<256xf32, #tpu.memory_space<hbm>>
    tpu.wait_dma2 semaphore(%arg6 : memref<!tpu.dma_semaphore, #tpu.memory_space<semaphore_mem>>) src(%dma_wait3A_207 : memref<256xf32, #tpu.memory_space<hbm>>) dst(%dma_wait3A_205 : memref<256xf32, #tpu.memory_space<vmem>>)
    %dma_wait3A_208 = arith.constant 7 : i32
    %dma_wait3A_209 = arith.constant 1792 : i32
    %dma_wait3A_210 = tpu.memref_slice %arg4[%dma_wait3A_209] : memref<4096xf32, #tpu.memory_space<vmem>> -> memref<256xf32, #tpu.memory_space<vmem>>
    %dma_wait3A_211 = tpu.memref_slice %arg2[%dma_wait3A_208, %mul3A_2] : memref<16x8192xf32, #tpu.memory_space<hbm>> -> memref<1x256xf32, #tpu.memory_space<hbm>>
    %dma_wait3A_212 = tpu.memref_squeeze %dma_wait3A_211 : memref<1x256xf32, #tpu.memory_space<hbm>> -> memref<256xf32, #tpu.memory_space<hbm>>
    %dma_wait3A_213 = arith.constant 1792 : i32
    %dma_wait3A_214 = tpu.memref_slice %arg4[%dma_wait3A_213] : memref<4096xf32, #tpu.memory_space<vmem>> -> memref<256xf32, #tpu.memory_space<vmem>>
    %dma_wait3A_215 = tpu.memref_slice %arg2[%dma_wait3A_208, %mul3A_2] : memref<16x8192xf32, #tpu.memory_space<hbm>> -> memref<1x256xf32, #tpu.memory_space<hbm>>
    %dma_wait3A_216 = tpu.memref_squeeze %dma_wait3A_215 : memref<1x256xf32, #tpu.memory_space<hbm>> -> memref<256xf32, #tpu.memory_space<hbm>>
    tpu.wait_dma2 semaphore(%arg6 : memref<!tpu.dma_semaphore, #tpu.memory_space<semaphore_mem>>) src(%dma_wait3A_216 : memref<256xf32, #tpu.memory_space<hbm>>) dst(%dma_wait3A_214 : memref<256xf32, #tpu.memory_space<vmem>>)
    %dma_wait3A_217 = arith.constant 8 : i32
    %dma_wait3A_218 = arith.constant 2048 : i32
    %dma_wait3A_219 = tpu.memref_slice %arg4[%dma_wait3A_218] : memref<4096xf32, #tpu.memory_space<vmem>> -> memref<256xf32, #tpu.memory_space<vmem>>
    %dma_wait3A_220 = tpu.memref_slice %arg2[%dma_wait3A_217, %mul3A_2] : memref<16x8192xf32, #tpu.memory_space<hbm>> -> memref<1x256xf32, #tpu.memory_space<hbm>>
    %dma_wait3A_221 = tpu.memref_squeeze %dma_wait3A_220 : memref<1x256xf32, #tpu.memory_space<hbm>> -> memref<256xf32, #tpu.memory_space<hbm>>
    %dma_wait3A_222 = arith.constant 2048 : i32
    %dma_wait3A_223 = tpu.memref_slice %arg4[%dma_wait3A_222] : memref<4096xf32, #tpu.memory_space<vmem>> -> memref<256xf32, #tpu.memory_space<vmem>>
    %dma_wait3A_224 = tpu.memref_slice %arg2[%dma_wait3A_217, %mul3A_2] : memref<16x8192xf32, #tpu.memory_space<hbm>> -> memref<1x256xf32, #tpu.memory_space<hbm>>
    %dma_wait3A_225 = tpu.memref_squeeze %dma_wait3A_224 : memref<1x256xf32, #tpu.memory_space<hbm>> -> memref<256xf32, #tpu.memory_space<hbm>>
    tpu.wait_dma2 semaphore(%arg6 : memref<!tpu.dma_semaphore, #tpu.memory_space<semaphore_mem>>) src(%dma_wait3A_225 : memref<256xf32, #tpu.memory_space<hbm>>) dst(%dma_wait3A_223 : memref<256xf32, #tpu.memory_space<vmem>>)
    %dma_wait3A_226 = arith.constant 9 : i32
    %dma_wait3A_227 = arith.constant 2304 : i32
    %dma_wait3A_228 = tpu.memref_slice %arg4[%dma_wait3A_227] : memref<4096xf32, #tpu.memory_space<vmem>> -> memref<256xf32, #tpu.memory_space<vmem>>
    %dma_wait3A_229 = tpu.memref_slice %arg2[%dma_wait3A_226, %mul3A_2] : memref<16x8192xf32, #tpu.memory_space<hbm>> -> memref<1x256xf32, #tpu.memory_space<hbm>>
    %dma_wait3A_230 = tpu.memref_squeeze %dma_wait3A_229 : memref<1x256xf32, #tpu.memory_space<hbm>> -> memref<256xf32, #tpu.memory_space<hbm>>
    %dma_wait3A_231 = arith.constant 2304 : i32
    %dma_wait3A_232 = tpu.memref_slice %arg4[%dma_wait3A_231] : memref<4096xf32, #tpu.memory_space<vmem>> -> memref<256xf32, #tpu.memory_space<vmem>>
    %dma_wait3A_233 = tpu.memref_slice %arg2[%dma_wait3A_226, %mul3A_2] : memref<16x8192xf32, #tpu.memory_space<hbm>> -> memref<1x256xf32, #tpu.memory_space<hbm>>
    %dma_wait3A_234 = tpu.memref_squeeze %dma_wait3A_233 : memref<1x256xf32, #tpu.memory_space<hbm>> -> memref<256xf32, #tpu.memory_space<hbm>>
    tpu.wait_dma2 semaphore(%arg6 : memref<!tpu.dma_semaphore, #tpu.memory_space<semaphore_mem>>) src(%dma_wait3A_234 : memref<256xf32, #tpu.memory_space<hbm>>) dst(%dma_wait3A_232 : memref<256xf32, #tpu.memory_space<vmem>>)
    %dma_wait3A_235 = arith.constant 10 : i32
    %dma_wait3A_236 = arith.constant 2560 : i32
    %dma_wait3A_237 = tpu.memref_slice %arg4[%dma_wait3A_236] : memref<4096xf32, #tpu.memory_space<vmem>> -> memref<256xf32, #tpu.memory_space<vmem>>
    %dma_wait3A_238 = tpu.memref_slice %arg2[%dma_wait3A_235, %mul3A_2] : memref<16x8192xf32, #tpu.memory_space<hbm>> -> memref<1x256xf32, #tpu.memory_space<hbm>>
    %dma_wait3A_239 = tpu.memref_squeeze %dma_wait3A_238 : memref<1x256xf32, #tpu.memory_space<hbm>> -> memref<256xf32, #tpu.memory_space<hbm>>
    %dma_wait3A_240 = arith.constant 2560 : i32
    %dma_wait3A_241 = tpu.memref_slice %arg4[%dma_wait3A_240] : memref<4096xf32, #tpu.memory_space<vmem>> -> memref<256xf32, #tpu.memory_space<vmem>>
    %dma_wait3A_242 = tpu.memref_slice %arg2[%dma_wait3A_235, %mul3A_2] : memref<16x8192xf32, #tpu.memory_space<hbm>> -> memref<1x256xf32, #tpu.memory_space<hbm>>
    %dma_wait3A_243 = tpu.memref_squeeze %dma_wait3A_242 : memref<1x256xf32, #tpu.memory_space<hbm>> -> memref<256xf32, #tpu.memory_space<hbm>>
    tpu.wait_dma2 semaphore(%arg6 : memref<!tpu.dma_semaphore, #tpu.memory_space<semaphore_mem>>) src(%dma_wait3A_243 : memref<256xf32, #tpu.memory_space<hbm>>) dst(%dma_wait3A_241 : memref<256xf32, #tpu.memory_space<vmem>>)
    %dma_wait3A_244 = arith.constant 11 : i32
    %dma_wait3A_245 = arith.constant 2816 : i32
    %dma_wait3A_246 = tpu.memref_slice %arg4[%dma_wait3A_245] : memref<4096xf32, #tpu.memory_space<vmem>> -> memref<256xf32, #tpu.memory_space<vmem>>
    %dma_wait3A_247 = tpu.memref_slice %arg2[%dma_wait3A_244, %mul3A_2] : memref<16x8192xf32, #tpu.memory_space<hbm>> -> memref<1x256xf32, #tpu.memory_space<hbm>>
    %dma_wait3A_248 = tpu.memref_squeeze %dma_wait3A_247 : memref<1x256xf32, #tpu.memory_space<hbm>> -> memref<256xf32, #tpu.memory_space<hbm>>
    %dma_wait3A_249 = arith.constant 2816 : i32
    %dma_wait3A_250 = tpu.memref_slice %arg4[%dma_wait3A_249] : memref<4096xf32, #tpu.memory_space<vmem>> -> memref<256xf32, #tpu.memory_space<vmem>>
    %dma_wait3A_251 = tpu.memref_slice %arg2[%dma_wait3A_244, %mul3A_2] : memref<16x8192xf32, #tpu.memory_space<hbm>> -> memref<1x256xf32, #tpu.memory_space<hbm>>
    %dma_wait3A_252 = tpu.memref_squeeze %dma_wait3A_251 : memref<1x256xf32, #tpu.memory_space<hbm>> -> memref<256xf32, #tpu.memory_space<hbm>>
    tpu.wait_dma2 semaphore(%arg6 : memref<!tpu.dma_semaphore, #tpu.memory_space<semaphore_mem>>) src(%dma_wait3A_252 : memref<256xf32, #tpu.memory_space<hbm>>) dst(%dma_wait3A_250 : memref<256xf32, #tpu.memory_space<vmem>>)
    %dma_wait3A_253 = arith.constant 12 : i32
    %dma_wait3A_254 = arith.constant 3072 : i32
    %dma_wait3A_255 = tpu.memref_slice %arg4[%dma_wait3A_254] : memref<4096xf32, #tpu.memory_space<vmem>> -> memref<256xf32, #tpu.memory_space<vmem>>
    %dma_wait3A_256 = tpu.memref_slice %arg2[%dma_wait3A_253, %mul3A_2] : memref<16x8192xf32, #tpu.memory_space<hbm>> -> memref<1x256xf32, #tpu.memory_space<hbm>>
    %dma_wait3A_257 = tpu.memref_squeeze %dma_wait3A_256 : memref<1x256xf32, #tpu.memory_space<hbm>> -> memref<256xf32, #tpu.memory_space<hbm>>
    %dma_wait3A_258 = arith.constant 3072 : i32
    %dma_wait3A_259 = tpu.memref_slice %arg4[%dma_wait3A_258] : memref<4096xf32, #tpu.memory_space<vmem>> -> memref<256xf32, #tpu.memory_space<vmem>>
    %dma_wait3A_260 = tpu.memref_slice %arg2[%dma_wait3A_253, %mul3A_2] : memref<16x8192xf32, #tpu.memory_space<hbm>> -> memref<1x256xf32, #tpu.memory_space<hbm>>
    %dma_wait3A_261 = tpu.memref_squeeze %dma_wait3A_260 : memref<1x256xf32, #tpu.memory_space<hbm>> -> memref<256xf32, #tpu.memory_space<hbm>>
    tpu.wait_dma2 semaphore(%arg6 : memref<!tpu.dma_semaphore, #tpu.memory_space<semaphore_mem>>) src(%dma_wait3A_261 : memref<256xf32, #tpu.memory_space<hbm>>) dst(%dma_wait3A_259 : memref<256xf32, #tpu.memory_space<vmem>>)
    %dma_wait3A_262 = arith.constant 13 : i32
    %dma_wait3A_263 = arith.constant 3328 : i32
    %dma_wait3A_264 = tpu.memref_slice %arg4[%dma_wait3A_263] : memref<4096xf32, #tpu.memory_space<vmem>> -> memref<256xf32, #tpu.memory_space<vmem>>
    %dma_wait3A_265 = tpu.memref_slice %arg2[%dma_wait3A_262, %mul3A_2] : memref<16x8192xf32, #tpu.memory_space<hbm>> -> memref<1x256xf32, #tpu.memory_space<hbm>>
    %dma_wait3A_266 = tpu.memref_squeeze %dma_wait3A_265 : memref<1x256xf32, #tpu.memory_space<hbm>> -> memref<256xf32, #tpu.memory_space<hbm>>
    %dma_wait3A_267 = arith.constant 3328 : i32
    %dma_wait3A_268 = tpu.memref_slice %arg4[%dma_wait3A_267] : memref<4096xf32, #tpu.memory_space<vmem>> -> memref<256xf32, #tpu.memory_space<vmem>>
    %dma_wait3A_269 = tpu.memref_slice %arg2[%dma_wait3A_262, %mul3A_2] : memref<16x8192xf32, #tpu.memory_space<hbm>> -> memref<1x256xf32, #tpu.memory_space<hbm>>
    %dma_wait3A_270 = tpu.memref_squeeze %dma_wait3A_269 : memref<1x256xf32, #tpu.memory_space<hbm>> -> memref<256xf32, #tpu.memory_space<hbm>>
    tpu.wait_dma2 semaphore(%arg6 : memref<!tpu.dma_semaphore, #tpu.memory_space<semaphore_mem>>) src(%dma_wait3A_270 : memref<256xf32, #tpu.memory_space<hbm>>) dst(%dma_wait3A_268 : memref<256xf32, #tpu.memory_space<vmem>>)
    %dma_wait3A_271 = arith.constant 14 : i32
    %dma_wait3A_272 = arith.constant 3584 : i32
    %dma_wait3A_273 = tpu.memref_slice %arg4[%dma_wait3A_272] : memref<4096xf32, #tpu.memory_space<vmem>> -> memref<256xf32, #tpu.memory_space<vmem>>
    %dma_wait3A_274 = tpu.memref_slice %arg2[%dma_wait3A_271, %mul3A_2] : memref<16x8192xf32, #tpu.memory_space<hbm>> -> memref<1x256xf32, #tpu.memory_space<hbm>>
    %dma_wait3A_275 = tpu.memref_squeeze %dma_wait3A_274 : memref<1x256xf32, #tpu.memory_space<hbm>> -> memref<256xf32, #tpu.memory_space<hbm>>
    %dma_wait3A_276 = arith.constant 3584 : i32
    %dma_wait3A_277 = tpu.memref_slice %arg4[%dma_wait3A_276] : memref<4096xf32, #tpu.memory_space<vmem>> -> memref<256xf32, #tpu.memory_space<vmem>>
    %dma_wait3A_278 = tpu.memref_slice %arg2[%dma_wait3A_271, %mul3A_2] : memref<16x8192xf32, #tpu.memory_space<hbm>> -> memref<1x256xf32, #tpu.memory_space<hbm>>
    %dma_wait3A_279 = tpu.memref_squeeze %dma_wait3A_278 : memref<1x256xf32, #tpu.memory_space<hbm>> -> memref<256xf32, #tpu.memory_space<hbm>>
    tpu.wait_dma2 semaphore(%arg6 : memref<!tpu.dma_semaphore, #tpu.memory_space<semaphore_mem>>) src(%dma_wait3A_279 : memref<256xf32, #tpu.memory_space<hbm>>) dst(%dma_wait3A_277 : memref<256xf32, #tpu.memory_space<vmem>>)
    %dma_wait3A_280 = arith.constant 15 : i32
    %dma_wait3A_281 = arith.constant 3840 : i32
    %dma_wait3A_282 = tpu.memref_slice %arg4[%dma_wait3A_281] : memref<4096xf32, #tpu.memory_space<vmem>> -> memref<256xf32, #tpu.memory_space<vmem>>
    %dma_wait3A_283 = tpu.memref_slice %arg2[%dma_wait3A_280, %mul3A_2] : memref<16x8192xf32, #tpu.memory_space<hbm>> -> memref<1x256xf32, #tpu.memory_space<hbm>>
    %dma_wait3A_284 = tpu.memref_squeeze %dma_wait3A_283 : memref<1x256xf32, #tpu.memory_space<hbm>> -> memref<256xf32, #tpu.memory_space<hbm>>
    %dma_wait3A_285 = arith.constant 3840 : i32
    %dma_wait3A_286 = tpu.memref_slice %arg4[%dma_wait3A_285] : memref<4096xf32, #tpu.memory_space<vmem>> -> memref<256xf32, #tpu.memory_space<vmem>>
    %dma_wait3A_287 = tpu.memref_slice %arg2[%dma_wait3A_280, %mul3A_2] : memref<16x8192xf32, #tpu.memory_space<hbm>> -> memref<1x256xf32, #tpu.memory_space<hbm>>
    %dma_wait3A_288 = tpu.memref_squeeze %dma_wait3A_287 : memref<1x256xf32, #tpu.memory_space<hbm>> -> memref<256xf32, #tpu.memory_space<hbm>>
    tpu.wait_dma2 semaphore(%arg6 : memref<!tpu.dma_semaphore, #tpu.memory_space<semaphore_mem>>) src(%dma_wait3A_288 : memref<256xf32, #tpu.memory_space<hbm>>) dst(%dma_wait3A_286 : memref<256xf32, #tpu.memory_space<vmem>>)
    %scan3A = arith.constant 0 : i32
    %scan3A_289 = arith.constant 0 : i32
    %scan3A_290 = arith.constant 16 : i32
    %scan3A_291 = arith.addi %scan3A_289, %scan3A_290 : i32
    %scan3A_292 = arith.constant 1 : i32
    scf.for %scan3A_294 = %scan3A_289 to %scan3A_291 step %scan3A_292  : i32 {
      %mul3A_295 = arith.constant 16 : i32
      %mul3A_296 = arith.muli %scan3A_294, %mul3A_295 : i32
      %iota3A = tpu.iota {dimensions = array<i32: 0>} : vector<16xi32>
      %add3A_297 = vector.broadcast %mul3A_296 : i32 to vector<16xi32>
      %add3A_298 = arith.addi %add3A_297, %iota3A : vector<16xi32>
      %broadcast_in_dim3A = arith.constant 0 : i32
      %broadcast_in_dim3A_299 = vector.broadcast %broadcast_in_dim3A : i32 to vector<16xi32>
      %gather3A = tpu.vector_load_idx %arg4[%add3A_298] : memref<4096xf32, #tpu.memory_space<vmem>>[vector<16xi32>], vector<16xf32>,
      %add3A_300 = arith.constant 256 : i32
      %add3A_301 = vector.broadcast %add3A_300 : i32 to vector<16xi32>
      %add3A_302 = arith.addi %add3A_301, %add3A_298 : vector<16xi32>
      %gather3A_303 = tpu.vector_load_idx %arg4[%add3A_302] : memref<4096xf32, #tpu.memory_space<vmem>>[vector<16xi32>], vector<16xf32>,
      %lt3A = arith.cmpf olt, %gather3A_303, %gather3A : vector<16xf32>
      %select_n3A = arith.select %lt3A, %gather3A_303, %gather3A : vector<16xi1>, vector<16xf32>
      %broadcast_in_dim3A_304 = arith.constant 1 : i32
      %broadcast_in_dim3A_305 = vector.broadcast %broadcast_in_dim3A_304 : i32 to vector<16xi32>
      %select_n3A_306 = arith.select %lt3A, %broadcast_in_dim3A_305, %broadcast_in_dim3A_299 : vector<16xi1>, vector<16xi32>
      %add3A_307 = arith.constant 512 : i32
      %add3A_308 = vector.broadcast %add3A_307 : i32 to vector<16xi32>
      %add3A_309 = arith.addi %add3A_308, %add3A_298 : vector<16xi32>
      %gather3A_310 = tpu.vector_load_idx %arg4[%add3A_309] : memref<4096xf32, #tpu.memory_space<vmem>>[vector<16xi32>], vector<16xf32>,
      %lt3A_311 = arith.cmpf olt, %gather3A_310, %select_n3A : vector<16xf32>
      %select_n3A_312 = arith.select %lt3A_311, %gather3A_310, %select_n3A : vector<16xi1>, vector<16xf32>
      %broadcast_in_dim3A_313 = arith.constant 2 : i32
      %broadcast_in_dim3A_314 = vector.broadcast %broadcast_in_dim3A_313 : i32 to vector<16xi32>
      %select_n3A_315 = arith.select %lt3A_311, %broadcast_in_dim3A_314, %select_n3A_306 : vector<16xi1>, vector<16xi32>
      %add3A_316 = arith.constant 768 : i32
      %add3A_317 = vector.broadcast %add3A_316 : i32 to vector<16xi32>
      %add3A_318 = arith.addi %add3A_317, %add3A_298 : vector<16xi32>
      %gather3A_319 = tpu.vector_load_idx %arg4[%add3A_318] : memref<4096xf32, #tpu.memory_space<vmem>>[vector<16xi32>], vector<16xf32>,
      %lt3A_320 = arith.cmpf olt, %gather3A_319, %select_n3A_312 : vector<16xf32>
      %select_n3A_321 = arith.select %lt3A_320, %gather3A_319, %select_n3A_312 : vector<16xi1>, vector<16xf32>
      %broadcast_in_dim3A_322 = arith.constant 3 : i32
      %broadcast_in_dim3A_323 = vector.broadcast %broadcast_in_dim3A_322 : i32 to vector<16xi32>
      %select_n3A_324 = arith.select %lt3A_320, %broadcast_in_dim3A_323, %select_n3A_315 : vector<16xi1>, vector<16xi32>
      %add3A_325 = arith.constant 1024 : i32
      %add3A_326 = vector.broadcast %add3A_325 : i32 to vector<16xi32>
      %add3A_327 = arith.addi %add3A_326, %add3A_298 : vector<16xi32>
      %gather3A_328 = tpu.vector_load_idx %arg4[%add3A_327] : memref<4096xf32, #tpu.memory_space<vmem>>[vector<16xi32>], vector<16xf32>,
      %lt3A_329 = arith.cmpf olt, %gather3A_328, %select_n3A_321 : vector<16xf32>
      %select_n3A_330 = arith.select %lt3A_329, %gather3A_328, %select_n3A_321 : vector<16xi1>, vector<16xf32>
      %broadcast_in_dim3A_331 = arith.constant 4 : i32
      %broadcast_in_dim3A_332 = vector.broadcast %broadcast_in_dim3A_331 : i32 to vector<16xi32>
      %select_n3A_333 = arith.select %lt3A_329, %broadcast_in_dim3A_332, %select_n3A_324 : vector<16xi1>, vector<16xi32>
      %add3A_334 = arith.constant 1280 : i32
      %add3A_335 = vector.broadcast %add3A_334 : i32 to vector<16xi32>
      %add3A_336 = arith.addi %add3A_335, %add3A_298 : vector<16xi32>
      %gather3A_337 = tpu.vector_load_idx %arg4[%add3A_336] : memref<4096xf32, #tpu.memory_space<vmem>>[vector<16xi32>], vector<16xf32>,
      %lt3A_338 = arith.cmpf olt, %gather3A_337, %select_n3A_330 : vector<16xf32>
      %select_n3A_339 = arith.select %lt3A_338, %gather3A_337, %select_n3A_330 : vector<16xi1>, vector<16xf32>
      %broadcast_in_dim3A_340 = arith.constant 5 : i32
      %broadcast_in_dim3A_341 = vector.broadcast %broadcast_in_dim3A_340 : i32 to vector<16xi32>
      %select_n3A_342 = arith.select %lt3A_338, %broadcast_in_dim3A_341, %select_n3A_333 : vector<16xi1>, vector<16xi32>
      %add3A_343 = arith.constant 1536 : i32
      %add3A_344 = vector.broadcast %add3A_343 : i32 to vector<16xi32>
      %add3A_345 = arith.addi %add3A_344, %add3A_298 : vector<16xi32>
      %gather3A_346 = tpu.vector_load_idx %arg4[%add3A_345] : memref<4096xf32, #tpu.memory_space<vmem>>[vector<16xi32>], vector<16xf32>,
      %lt3A_347 = arith.cmpf olt, %gather3A_346, %select_n3A_339 : vector<16xf32>
      %select_n3A_348 = arith.select %lt3A_347, %gather3A_346, %select_n3A_339 : vector<16xi1>, vector<16xf32>
      %broadcast_in_dim3A_349 = arith.constant 6 : i32
      %broadcast_in_dim3A_350 = vector.broadcast %broadcast_in_dim3A_349 : i32 to vector<16xi32>
      %select_n3A_351 = arith.select %lt3A_347, %broadcast_in_dim3A_350, %select_n3A_342 : vector<16xi1>, vector<16xi32>
      %add3A_352 = arith.constant 1792 : i32
      %add3A_353 = vector.broadcast %add3A_352 : i32 to vector<16xi32>
      %add3A_354 = arith.addi %add3A_353, %add3A_298 : vector<16xi32>
      %gather3A_355 = tpu.vector_load_idx %arg4[%add3A_354] : memref<4096xf32, #tpu.memory_space<vmem>>[vector<16xi32>], vector<16xf32>,
      %lt3A_356 = arith.cmpf olt, %gather3A_355, %select_n3A_348 : vector<16xf32>
      %select_n3A_357 = arith.select %lt3A_356, %gather3A_355, %select_n3A_348 : vector<16xi1>, vector<16xf32>
      %broadcast_in_dim3A_358 = arith.constant 7 : i32
      %broadcast_in_dim3A_359 = vector.broadcast %broadcast_in_dim3A_358 : i32 to vector<16xi32>
      %select_n3A_360 = arith.select %lt3A_356, %broadcast_in_dim3A_359, %select_n3A_351 : vector<16xi1>, vector<16xi32>
      %add3A_361 = arith.constant 8 : i32
      %add3A_362 = vector.broadcast %add3A_361 : i32 to vector<16xi32>
      %add3A_363 = arith.addi %select_n3A_360, %add3A_362 : vector<16xi32>
      %mul3A_364 = arith.constant 256 : i32
      %mul3A_365 = vector.broadcast %mul3A_364 : i32 to vector<16xi32>
      %mul3A_366 = arith.muli %add3A_363, %mul3A_365 : vector<16xi32>
      %add3A_367 = arith.addi %mul3A_366, %add3A_298 : vector<16xi32>
      %gather3A_368 = tpu.vector_load_idx %arg4[%add3A_367] : memref<4096xf32, #tpu.memory_space<vmem>>[vector<16xi32>], vector<16xf32>,
      %mul3A_369 = arith.constant 16 : i32
      %mul3A_370 = arith.muli %scan3A_294, %mul3A_369 : i32
      %swap3A = arith.index_cast %mul3A_370 : i32 to index
      %swap3A_371 = tpu.vector_load %arg5[%swap3A] {strides = array<i32>} : memref<256xf32, #tpu.memory_space<vmem>>, vector<16xf32>,
      tpu.vector_store %arg5[%swap3A], %gather3A_368 {strides = array<i32>} : memref<256xf32, #tpu.memory_space<vmem>>, vector<16xf32>,
    }
    %scan3A_293 = arith.constant 16 : i32
    "tpu.region"() ({
      %run_scoped3A = tpu.sem_alloc : memref<!tpu.dma_semaphore, #tpu.memory_space<semaphore_mem>>
      %dma_start3A_294 = tpu.memref_slice %arg3[%mul3A_2] : memref<8192xf32, #tpu.memory_space<hbm>> -> memref<256xf32, #tpu.memory_space<hbm>>
      %dma_start3A_295 = tpu.memref_slice %arg3[%mul3A_2] : memref<8192xf32, #tpu.memory_space<hbm>> -> memref<256xf32, #tpu.memory_space<hbm>>
      tpu.enqueue_dma source(%arg5 : memref<256xf32, #tpu.memory_space<vmem>>) target(%dma_start3A_295 : memref<256xf32, #tpu.memory_space<hbm>>) target_semaphore(%run_scoped3A : memref<!tpu.dma_semaphore, #tpu.memory_space<semaphore_mem>>)
      %dma_wait3A_296 = tpu.memref_slice %arg3[%mul3A_2] : memref<8192xf32, #tpu.memory_space<hbm>> -> memref<256xf32, #tpu.memory_space<hbm>>
      %dma_wait3A_297 = tpu.memref_slice %arg3[%mul3A_2] : memref<8192xf32, #tpu.memory_space<hbm>> -> memref<256xf32, #tpu.memory_space<hbm>>
      tpu.wait_dma2 semaphore(%run_scoped3A : memref<!tpu.dma_semaphore, #tpu.memory_space<semaphore_mem>>) src(%arg5 : memref<256xf32, #tpu.memory_space<vmem>>) dst(%dma_wait3A_297 : memref<256xf32, #tpu.memory_space<hbm>>)
      tpu.yield
    }) : () -> ()
    return
  }
}

module attributes {stable_mosaic.version = 14 : i64} {
  func.func @_tc_body(%arg0: i32, %arg1: memref<2048x1024xf32, #tpu.memory_space<vmem>>, %arg2: memref<128x1024xf32, #tpu.memory_space<vmem>>, %arg3: memref<128x1024xf32, #tpu.memory_space<vmem>>, %arg4: memref<1x128xf32, #tpu.memory_space<vmem>>, %arg5: memref<8x1024xf32, #tpu.memory_space<vmem>>, %arg6: memref<16x2048xf32, #tpu.memory_space<vmem>>, %arg7: memref<136x1024xbf16, #tpu.memory_space<vmem>>, %arg8: memref<136x1024xbf16, #tpu.memory_space<vmem>>, %arg9: memref<1x136xf32, #tpu.memory_space<vmem>>) attributes {dimension_semantics = [#tpu.dimension_semantics<arbitrary>], iteration_bounds = array<i64: 4>, scalar_prefetch = 0 : i64, scratch_operands = 3 : i64, tpu.core_type = #tpu.core_type<tc>, window_params = [{transform_indices = @transform_0, window_bounds = array<i64: 2048, 1024>}, {pipeline_mode = #tpu.pipeline_mode<synchronous>, transform_indices = @transform_1, window_bounds = array<i64: 128, 1024>}, {pipeline_mode = #tpu.pipeline_mode<synchronous>, transform_indices = @transform_2, window_bounds = array<i64: 128, 1024>}, {pipeline_mode = #tpu.pipeline_mode<synchronous>, transform_indices = @transform_3, window_bounds = array<i64: 1, 128>}, {pipeline_mode = #tpu.pipeline_mode<synchronous>, transform_indices = @transform_4, window_bounds = array<i64: 8, 1024>}, {transform_indices = @transform_5, window_bounds = array<i64: 16, 2048>}]} {
    %eq3A = arith.constant 0 : i32
    %eq3A_0 = arith.cmpi eq, %arg0, %eq3A : i32
    %convert_element_type3A = arith.extui %eq3A_0 : i1 to i32
    %cond3A = arith.constant 0 : i32
    %cond3A_1 = arith.cmpi ne, %convert_element_type3A, %cond3A : i32
    scf.if %cond3A_1 {
      %get3A_110 = arith.constant 0 : index
      %get3A_111 = arith.constant 0 : index
      %get3A_112 = vector.load %arg3[%get3A_110, %get3A_111] : memref<128x1024xf32, #tpu.memory_space<vmem>>, vector<128x1024xf32>
      %mul3A_113 = arith.constant -2.000000e+00 : f32
      %mul3A_114 = vector.broadcast %mul3A_113 : f32 to vector<128x1024xf32>
      %mul3A_115 = arith.mulf %mul3A_114, %get3A_112 : vector<128x1024xf32>
      %exp3A_116 = math.exp %mul3A_115 : vector<128x1024xf32>
      %get3A_117 = arith.constant 0 : index
      %get3A_118 = arith.constant 0 : index
      %get3A_119 = vector.load %arg2[%get3A_117, %get3A_118] : memref<128x1024xf32, #tpu.memory_space<vmem>>, vector<128x1024xf32>
      %get3A_120 = arith.constant 0 : index
      %get3A_121 = arith.constant 0 : index
      %get3A_122 = vector.load %arg5[%get3A_120, %get3A_121] : memref<8x1024xf32, #tpu.memory_space<vmem>>, vector<8x1024xf32>
      %mul3A_123 = arith.mulf %get3A_119, %exp3A_116 : vector<128x1024xf32>
      %mul3A_124 = arith.constant -2.000000e+00 : f32
      %mul3A_125 = vector.broadcast %mul3A_124 : f32 to vector<8x1024xf32>
      %mul3A_126 = arith.mulf %mul3A_125, %get3A_122 : vector<8x1024xf32>
      %concatenate3A_127 = tpu.concatenate %mul3A_123, %mul3A_126 in 0 : vector<128x1024xf32>, vector<8x1024xf32> -> vector<136x1024xf32>
      %convert_element_type3A_128 = arith.truncf %concatenate3A_127 : vector<136x1024xf32> to vector<136x1024xbf16>
      %swap3A_129 = arith.constant 0 : index
      %swap3A_130 = arith.constant 0 : index
      %swap3A_131 = vector.load %arg7[%swap3A_129, %swap3A_130] : memref<136x1024xbf16, #tpu.memory_space<vmem>>, vector<136x1024xbf16>
      tpu.vector_store %arg7[%swap3A_129, %swap3A_130], %convert_element_type3A_128 {strides = array<i32>} : memref<136x1024xbf16, #tpu.memory_space<vmem>>, vector<136x1024xbf16>,
      %mul3A_132 = arith.constant -5.000000e-01 : f32
      %mul3A_133 = vector.broadcast %mul3A_132 : f32 to vector<128x1024xf32>
      %mul3A_134 = arith.mulf %mul3A_133, %exp3A_116 : vector<128x1024xf32>
      %broadcast_in_dim3A_135 = arith.constant 1.000000e+00 : f32
      %broadcast_in_dim3A_136 = vector.broadcast %broadcast_in_dim3A_135 : f32 to vector<1x1024xf32>
      %broadcast_in_dim3A_137 = arith.constant 0.000000e+00 : f32
      %broadcast_in_dim3A_138 = vector.broadcast %broadcast_in_dim3A_137 : f32 to vector<7x1024xf32>
      %concatenate3A_139 = tpu.concatenate %mul3A_134, %broadcast_in_dim3A_136, %broadcast_in_dim3A_138 in 0 : vector<128x1024xf32>, vector<1x1024xf32>, vector<7x1024xf32> -> vector<136x1024xf32>
      %convert_element_type3A_140 = arith.truncf %concatenate3A_139 : vector<136x1024xf32> to vector<136x1024xbf16>
      %swap3A_141 = arith.constant 0 : index
      %swap3A_142 = arith.constant 0 : index
      %swap3A_143 = vector.load %arg8[%swap3A_141, %swap3A_142] : memref<136x1024xbf16, #tpu.memory_space<vmem>>, vector<136x1024xbf16>
      tpu.vector_store %arg8[%swap3A_141, %swap3A_142], %convert_element_type3A_140 {strides = array<i32>} : memref<136x1024xbf16, #tpu.memory_space<vmem>>, vector<136x1024xbf16>,
      %broadcast_in_dim3A_144 = arith.constant 1.000000e+00 : bf16
      %broadcast_in_dim3A_145 = vector.broadcast %broadcast_in_dim3A_144 : bf16 to vector<1x1024xbf16>
      %mul3A_146 = arith.constant -5.000000e-01 : f32
      %mul3A_147 = vector.broadcast %mul3A_146 : f32 to vector<128x1024xf32>
      %mul3A_148 = arith.mulf %mul3A_147, %get3A_119 : vector<128x1024xf32>
      %mul3A_149 = arith.mulf %mul3A_148, %get3A_119 : vector<128x1024xf32>
      %mul3A_150 = arith.mulf %mul3A_149, %exp3A_116 : vector<128x1024xf32>
      %get3A_151 = arith.constant 0 : index
      %get3A_152 = arith.constant 0 : index
      %get3A_153 = vector.load %arg3[%get3A_151, %get3A_152] : memref<128x1024xf32, #tpu.memory_space<vmem>>, vector<128x1024xf32>
      %sub3A_154 = arith.subf %mul3A_150, %get3A_153 : vector<128x1024xf32>
      %convert_element_type3A_155 = arith.truncf %sub3A_154 : vector<128x1024xf32> to vector<128x1024xbf16>
      %dot_general3A_156 = arith.constant dense<0.000000e+00> : vector<1x128xf32>
      %dot_general3A_157 = tpu.matmul %broadcast_in_dim3A_145, %convert_element_type3A_155, %dot_general3A_156 {dimension_numbers = #tpu.dot_dimension_numbers<[1], [1], [0], [0], [0, 0, 1, 0], [], []>, transpose_lhs_hint = false} : vector<1x1024xbf16>, vector<128x1024xbf16>, vector<1x128xf32> -> vector<1x128xf32>
      %get3A_158 = arith.constant 0 : index
      %get3A_159 = arith.constant 0 : index
      %get3A_160 = vector.load %arg4[%get3A_158, %get3A_159] : memref<1x128xf32, #tpu.memory_space<vmem>>, vector<1x128xf32>
      %add3A_161 = arith.addf %dot_general3A_157, %get3A_160 : vector<1x128xf32>
      %sub3A_162 = arith.constant 940.993041 : f32
      %sub3A_163 = vector.broadcast %sub3A_162 : f32 to vector<1x128xf32>
      %sub3A_164 = arith.subf %add3A_161, %sub3A_163 : vector<1x128xf32>
      %mul3A_165 = arith.mulf %get3A_122, %get3A_122 : vector<8x1024xf32>
      %convert_element_type3A_166 = arith.truncf %mul3A_165 : vector<8x1024xf32> to vector<8x1024xbf16>
      %dot_general3A_167 = arith.constant dense<0.000000e+00> : vector<1x8xf32>
      %dot_general3A_168 = tpu.matmul %broadcast_in_dim3A_145, %convert_element_type3A_166, %dot_general3A_167 {dimension_numbers = #tpu.dot_dimension_numbers<[1], [1], [0], [0], [0, 0, 1, 0], [], []>, transpose_lhs_hint = false} : vector<1x1024xbf16>, vector<8x1024xbf16>, vector<1x8xf32> -> vector<1x8xf32>
      %concatenate3A_169 = tpu.concatenate %sub3A_164, %dot_general3A_168 in 1 : vector<1x128xf32>, vector<1x8xf32> -> vector<1x136xf32>
      %swap3A_170 = arith.constant 0 : index
      %swap3A_171 = arith.constant 0 : index
      %swap3A_172 = vector.load %arg9[%swap3A_170, %swap3A_171] : memref<1x136xf32, #tpu.memory_space<vmem>>, vector<1x136xf32>
      tpu.vector_store %arg9[%swap3A_170, %swap3A_171], %concatenate3A_169 {strides = array<i32>} : memref<1x136xf32, #tpu.memory_space<vmem>>, vector<1x136xf32>,
    } else {
    }
    %get3A = arith.constant 0 : index
    %get3A_2 = arith.constant 0 : index
    %get3A_3 = vector.load %arg1[%get3A, %get3A_2] : memref<2048x1024xf32, #tpu.memory_space<vmem>>, vector<2048x1024xf32>
    %mul3A = arith.mulf %get3A_3, %get3A_3 : vector<2048x1024xf32>
    %convert_element_type3A_4 = arith.truncf %get3A_3 : vector<2048x1024xf32> to vector<2048x1024xbf16>
    %get3A_5 = arith.constant 0 : index
    %get3A_6 = arith.constant 0 : index
    %get3A_7 = vector.load %arg7[%get3A_5, %get3A_6] : memref<136x1024xbf16, #tpu.memory_space<vmem>>, vector<136x1024xbf16>
    %dot_general3A = arith.constant dense<0.000000e+00> : vector<2048x136xf32>
    %dot_general3A_8 = tpu.matmul %convert_element_type3A_4, %get3A_7, %dot_general3A {dimension_numbers = #tpu.dot_dimension_numbers<[1], [1], [0], [0], [0, 0, 1, 0], [], []>, transpose_lhs_hint = false} : vector<2048x1024xbf16>, vector<136x1024xbf16>, vector<2048x136xf32> -> vector<2048x136xf32>
    %convert_element_type3A_9 = arith.truncf %mul3A : vector<2048x1024xf32> to vector<2048x1024xbf16>
    %get3A_10 = arith.constant 0 : index
    %get3A_11 = arith.constant 0 : index
    %get3A_12 = vector.load %arg8[%get3A_10, %get3A_11] : memref<136x1024xbf16, #tpu.memory_space<vmem>>, vector<136x1024xbf16>
    %dot_general3A_13 = arith.constant dense<0.000000e+00> : vector<2048x136xf32>
    %dot_general3A_14 = tpu.matmul %convert_element_type3A_9, %get3A_12, %dot_general3A_13 {dimension_numbers = #tpu.dot_dimension_numbers<[1], [1], [0], [0], [0, 0, 1, 0], [], []>, transpose_lhs_hint = false} : vector<2048x1024xbf16>, vector<136x1024xbf16>, vector<2048x136xf32> -> vector<2048x136xf32>
    %get3A_15 = arith.constant 0 : index
    %get3A_16 = arith.constant 0 : index
    %get3A_17 = vector.load %arg9[%get3A_15, %get3A_16] : memref<1x136xf32, #tpu.memory_space<vmem>>, vector<1x136xf32>
    %slice3A = vector.extract_strided_slice %dot_general3A_14 {offsets = [0, 128], sizes = [2048, 1], strides = [1, 1]} : vector<2048x136xf32> to vector<2048x1xf32>
    %slice3A_18 = vector.extract_strided_slice %dot_general3A_8 {offsets = [0, 128], sizes = [2048, 8], strides = [1, 1]} : vector<2048x136xf32> to vector<2048x8xf32>
    %add3A = vector.broadcast %slice3A : vector<2048x1xf32> to vector<2048x8xf32>
    %add3A_19 = arith.addf %add3A, %slice3A_18 : vector<2048x8xf32>
    %slice3A_20 = vector.extract_strided_slice %get3A_17 {offsets = [0, 128], sizes = [1, 8], strides = [1, 1]} : vector<1x136xf32> to vector<1x8xf32>
    %add3A_21 = vector.broadcast %slice3A_20 : vector<1x8xf32> to vector<2048x8xf32>
    %add3A_22 = arith.addf %add3A_19, %add3A_21 : vector<2048x8xf32>
    %slice3A_23 = vector.extract_strided_slice %dot_general3A_8 {offsets = [0, 0], sizes = [2048, 128], strides = [1, 1]} : vector<2048x136xf32> to vector<2048x128xf32>
    %slice3A_24 = vector.extract_strided_slice %dot_general3A_14 {offsets = [0, 0], sizes = [2048, 128], strides = [1, 1]} : vector<2048x136xf32> to vector<2048x128xf32>
    %add3A_25 = arith.addf %slice3A_23, %slice3A_24 : vector<2048x128xf32>
    %slice3A_26 = vector.extract_strided_slice %get3A_17 {offsets = [0, 0], sizes = [1, 128], strides = [1, 1]} : vector<1x136xf32> to vector<1x128xf32>
    %add3A_27 = vector.broadcast %slice3A_26 : vector<1x128xf32> to vector<2048x128xf32>
    %add3A_28 = arith.addf %add3A_25, %add3A_27 : vector<2048x128xf32>
    %transpose3A = tpu.transpose %add3A_28, [1, 0] : vector<2048x128xf32> -> vector<128x2048xf32>
    %slice3A_29 = vector.extract_strided_slice %transpose3A {offsets = [0, 0], sizes = [16, 2048], strides = [1, 1]} : vector<128x2048xf32> to vector<16x2048xf32>
    %reduce_max3A = arith.constant dense<0xFF800000> : vector<2048xf32>
    %reduce_max3A_30 = vector.multi_reduction <maximumf>, %slice3A_29, %reduce_max3A [0] : vector<16x2048xf32> to vector<2048xf32>
    %broadcast_in_dim3A = vector.shape_cast %reduce_max3A_30 : vector<2048xf32> to vector<1x2048xf32>
    %sub3A = vector.broadcast %broadcast_in_dim3A : vector<1x2048xf32> to vector<16x2048xf32>
    %sub3A_31 = arith.subf %slice3A_29, %sub3A : vector<16x2048xf32>
    %exp3A = math.exp %sub3A_31 : vector<16x2048xf32>
    %reduce_sum3A = arith.constant dense<0.000000e+00> : vector<2048xf32>
    %reduce_sum3A_32 = vector.multi_reduction <add>, %exp3A, %reduce_sum3A [0] : vector<16x2048xf32> to vector<2048xf32>
    %broadcast_in_dim3A_33 = vector.shape_cast %reduce_sum3A_32 : vector<2048xf32> to vector<1x2048xf32>
    %slice3A_34 = vector.extract_strided_slice %transpose3A {offsets = [16, 0], sizes = [16, 2048], strides = [1, 1]} : vector<128x2048xf32> to vector<16x2048xf32>
    %reduce_max3A_35 = arith.constant dense<0xFF800000> : vector<2048xf32>
    %reduce_max3A_36 = vector.multi_reduction <maximumf>, %slice3A_34, %reduce_max3A_35 [0] : vector<16x2048xf32> to vector<2048xf32>
    %broadcast_in_dim3A_37 = vector.shape_cast %reduce_max3A_36 : vector<2048xf32> to vector<1x2048xf32>
    %sub3A_38 = vector.broadcast %broadcast_in_dim3A_37 : vector<1x2048xf32> to vector<16x2048xf32>
    %sub3A_39 = arith.subf %slice3A_34, %sub3A_38 : vector<16x2048xf32>
    %exp3A_40 = math.exp %sub3A_39 : vector<16x2048xf32>
    %reduce_sum3A_41 = arith.constant dense<0.000000e+00> : vector<2048xf32>
    %reduce_sum3A_42 = vector.multi_reduction <add>, %exp3A_40, %reduce_sum3A_41 [0] : vector<16x2048xf32> to vector<2048xf32>
    %broadcast_in_dim3A_43 = vector.shape_cast %reduce_sum3A_42 : vector<2048xf32> to vector<1x2048xf32>
    %slice3A_44 = vector.extract_strided_slice %transpose3A {offsets = [32, 0], sizes = [16, 2048], strides = [1, 1]} : vector<128x2048xf32> to vector<16x2048xf32>
    %reduce_max3A_45 = arith.constant dense<0xFF800000> : vector<2048xf32>
    %reduce_max3A_46 = vector.multi_reduction <maximumf>, %slice3A_44, %reduce_max3A_45 [0] : vector<16x2048xf32> to vector<2048xf32>
    %broadcast_in_dim3A_47 = vector.shape_cast %reduce_max3A_46 : vector<2048xf32> to vector<1x2048xf32>
    %sub3A_48 = vector.broadcast %broadcast_in_dim3A_47 : vector<1x2048xf32> to vector<16x2048xf32>
    %sub3A_49 = arith.subf %slice3A_44, %sub3A_48 : vector<16x2048xf32>
    %exp3A_50 = math.exp %sub3A_49 : vector<16x2048xf32>
    %reduce_sum3A_51 = arith.constant dense<0.000000e+00> : vector<2048xf32>
    %reduce_sum3A_52 = vector.multi_reduction <add>, %exp3A_50, %reduce_sum3A_51 [0] : vector<16x2048xf32> to vector<2048xf32>
    %broadcast_in_dim3A_53 = vector.shape_cast %reduce_sum3A_52 : vector<2048xf32> to vector<1x2048xf32>
    %slice3A_54 = vector.extract_strided_slice %transpose3A {offsets = [48, 0], sizes = [16, 2048], strides = [1, 1]} : vector<128x2048xf32> to vector<16x2048xf32>
    %reduce_max3A_55 = arith.constant dense<0xFF800000> : vector<2048xf32>
    %reduce_max3A_56 = vector.multi_reduction <maximumf>, %slice3A_54, %reduce_max3A_55 [0] : vector<16x2048xf32> to vector<2048xf32>
    %broadcast_in_dim3A_57 = vector.shape_cast %reduce_max3A_56 : vector<2048xf32> to vector<1x2048xf32>
    %sub3A_58 = vector.broadcast %broadcast_in_dim3A_57 : vector<1x2048xf32> to vector<16x2048xf32>
    %sub3A_59 = arith.subf %slice3A_54, %sub3A_58 : vector<16x2048xf32>
    %exp3A_60 = math.exp %sub3A_59 : vector<16x2048xf32>
    %reduce_sum3A_61 = arith.constant dense<0.000000e+00> : vector<2048xf32>
    %reduce_sum3A_62 = vector.multi_reduction <add>, %exp3A_60, %reduce_sum3A_61 [0] : vector<16x2048xf32> to vector<2048xf32>
    %broadcast_in_dim3A_63 = vector.shape_cast %reduce_sum3A_62 : vector<2048xf32> to vector<1x2048xf32>
    %slice3A_64 = vector.extract_strided_slice %transpose3A {offsets = [64, 0], sizes = [16, 2048], strides = [1, 1]} : vector<128x2048xf32> to vector<16x2048xf32>
    %reduce_max3A_65 = arith.constant dense<0xFF800000> : vector<2048xf32>
    %reduce_max3A_66 = vector.multi_reduction <maximumf>, %slice3A_64, %reduce_max3A_65 [0] : vector<16x2048xf32> to vector<2048xf32>
    %broadcast_in_dim3A_67 = vector.shape_cast %reduce_max3A_66 : vector<2048xf32> to vector<1x2048xf32>
    %sub3A_68 = vector.broadcast %broadcast_in_dim3A_67 : vector<1x2048xf32> to vector<16x2048xf32>
    %sub3A_69 = arith.subf %slice3A_64, %sub3A_68 : vector<16x2048xf32>
    %exp3A_70 = math.exp %sub3A_69 : vector<16x2048xf32>
    %reduce_sum3A_71 = arith.constant dense<0.000000e+00> : vector<2048xf32>
    %reduce_sum3A_72 = vector.multi_reduction <add>, %exp3A_70, %reduce_sum3A_71 [0] : vector<16x2048xf32> to vector<2048xf32>
    %broadcast_in_dim3A_73 = vector.shape_cast %reduce_sum3A_72 : vector<2048xf32> to vector<1x2048xf32>
    %slice3A_74 = vector.extract_strided_slice %transpose3A {offsets = [80, 0], sizes = [16, 2048], strides = [1, 1]} : vector<128x2048xf32> to vector<16x2048xf32>
    %reduce_max3A_75 = arith.constant dense<0xFF800000> : vector<2048xf32>
    %reduce_max3A_76 = vector.multi_reduction <maximumf>, %slice3A_74, %reduce_max3A_75 [0] : vector<16x2048xf32> to vector<2048xf32>
    %broadcast_in_dim3A_77 = vector.shape_cast %reduce_max3A_76 : vector<2048xf32> to vector<1x2048xf32>
    %sub3A_78 = vector.broadcast %broadcast_in_dim3A_77 : vector<1x2048xf32> to vector<16x2048xf32>
    %sub3A_79 = arith.subf %slice3A_74, %sub3A_78 : vector<16x2048xf32>
    %exp3A_80 = math.exp %sub3A_79 : vector<16x2048xf32>
    %reduce_sum3A_81 = arith.constant dense<0.000000e+00> : vector<2048xf32>
    %reduce_sum3A_82 = vector.multi_reduction <add>, %exp3A_80, %reduce_sum3A_81 [0] : vector<16x2048xf32> to vector<2048xf32>
    %broadcast_in_dim3A_83 = vector.shape_cast %reduce_sum3A_82 : vector<2048xf32> to vector<1x2048xf32>
    %slice3A_84 = vector.extract_strided_slice %transpose3A {offsets = [96, 0], sizes = [16, 2048], strides = [1, 1]} : vector<128x2048xf32> to vector<16x2048xf32>
    %reduce_max3A_85 = arith.constant dense<0xFF800000> : vector<2048xf32>
    %reduce_max3A_86 = vector.multi_reduction <maximumf>, %slice3A_84, %reduce_max3A_85 [0] : vector<16x2048xf32> to vector<2048xf32>
    %broadcast_in_dim3A_87 = vector.shape_cast %reduce_max3A_86 : vector<2048xf32> to vector<1x2048xf32>
    %sub3A_88 = vector.broadcast %broadcast_in_dim3A_87 : vector<1x2048xf32> to vector<16x2048xf32>
    %sub3A_89 = arith.subf %slice3A_84, %sub3A_88 : vector<16x2048xf32>
    %exp3A_90 = math.exp %sub3A_89 : vector<16x2048xf32>
    %reduce_sum3A_91 = arith.constant dense<0.000000e+00> : vector<2048xf32>
    %reduce_sum3A_92 = vector.multi_reduction <add>, %exp3A_90, %reduce_sum3A_91 [0] : vector<16x2048xf32> to vector<2048xf32>
    %broadcast_in_dim3A_93 = vector.shape_cast %reduce_sum3A_92 : vector<2048xf32> to vector<1x2048xf32>
    %slice3A_94 = vector.extract_strided_slice %transpose3A {offsets = [112, 0], sizes = [16, 2048], strides = [1, 1]} : vector<128x2048xf32> to vector<16x2048xf32>
    %reduce_max3A_95 = arith.constant dense<0xFF800000> : vector<2048xf32>
    %reduce_max3A_96 = vector.multi_reduction <maximumf>, %slice3A_94, %reduce_max3A_95 [0] : vector<16x2048xf32> to vector<2048xf32>
    %broadcast_in_dim3A_97 = vector.shape_cast %reduce_max3A_96 : vector<2048xf32> to vector<1x2048xf32>
    %sub3A_98 = vector.broadcast %broadcast_in_dim3A_97 : vector<1x2048xf32> to vector<16x2048xf32>
    %sub3A_99 = arith.subf %slice3A_94, %sub3A_98 : vector<16x2048xf32>
    %exp3A_100 = math.exp %sub3A_99 : vector<16x2048xf32>
    %reduce_sum3A_101 = arith.constant dense<0.000000e+00> : vector<2048xf32>
    %reduce_sum3A_102 = vector.multi_reduction <add>, %exp3A_100, %reduce_sum3A_101 [0] : vector<16x2048xf32> to vector<2048xf32>
    %broadcast_in_dim3A_103 = vector.shape_cast %reduce_sum3A_102 : vector<2048xf32> to vector<1x2048xf32>
    %concatenate3A = tpu.concatenate %broadcast_in_dim3A_33, %broadcast_in_dim3A_43, %broadcast_in_dim3A_53, %broadcast_in_dim3A_63, %broadcast_in_dim3A_73, %broadcast_in_dim3A_83, %broadcast_in_dim3A_93, %broadcast_in_dim3A_103 in 0 : vector<1x2048xf32>, vector<1x2048xf32>, vector<1x2048xf32>, vector<1x2048xf32>, vector<1x2048xf32>, vector<1x2048xf32>, vector<1x2048xf32>, vector<1x2048xf32> -> vector<8x2048xf32>
    %log3A = math.log %concatenate3A : vector<8x2048xf32>
    %concatenate3A_104 = tpu.concatenate %broadcast_in_dim3A, %broadcast_in_dim3A_37, %broadcast_in_dim3A_47, %broadcast_in_dim3A_57, %broadcast_in_dim3A_67, %broadcast_in_dim3A_77, %broadcast_in_dim3A_87, %broadcast_in_dim3A_97 in 0 : vector<1x2048xf32>, vector<1x2048xf32>, vector<1x2048xf32>, vector<1x2048xf32>, vector<1x2048xf32>, vector<1x2048xf32>, vector<1x2048xf32>, vector<1x2048xf32> -> vector<8x2048xf32>
    %add3A_105 = arith.addf %log3A, %concatenate3A_104 : vector<8x2048xf32>
    %transpose3A_106 = tpu.transpose %add3A_22, [1, 0] : vector<2048x8xf32> -> vector<8x2048xf32>
    %concatenate3A_107 = tpu.concatenate %transpose3A_106, %add3A_105 in 0 : vector<8x2048xf32>, vector<8x2048xf32> -> vector<16x2048xf32>
    %swap3A = arith.constant 0 : index
    %swap3A_108 = arith.constant 0 : index
    %swap3A_109 = vector.load %arg6[%swap3A, %swap3A_108] : memref<16x2048xf32, #tpu.memory_space<vmem>>, vector<16x2048xf32>
    tpu.vector_store %arg6[%swap3A, %swap3A_108], %concatenate3A_107 {strides = array<i32>} : memref<16x2048xf32, #tpu.memory_space<vmem>>, vector<16x2048xf32>,
    return
  }
  func.func @transform_0(%arg0: i32) -> (i32, i32) {
    %c0_i32 = arith.constant 0 : i32
    %c0_i32_0 = arith.constant 0 : i32
    return %arg0, %c0_i32 : i32, i32
  }
  func.func @transform_1(%arg0: i32) -> (i32, i32) {
    %c0_i32 = arith.constant 0 : i32
    %c0_i32_0 = arith.constant 0 : i32
    %c0_i32_1 = arith.constant 0 : i32
    return %c0_i32, %c0_i32_0 : i32, i32
  }
  func.func @transform_2(%arg0: i32) -> (i32, i32) {
    %c0_i32 = arith.constant 0 : i32
    %c0_i32_0 = arith.constant 0 : i32
    %c0_i32_1 = arith.constant 0 : i32
    return %c0_i32, %c0_i32_0 : i32, i32
  }
  func.func @transform_3(%arg0: i32) -> (i32, i32) {
    %c0_i32 = arith.constant 0 : i32
    %c0_i32_0 = arith.constant 0 : i32
    %c0_i32_1 = arith.constant 0 : i32
    return %c0_i32, %c0_i32_0 : i32, i32
  }
  func.func @transform_4(%arg0: i32) -> (i32, i32) {
    %c0_i32 = arith.constant 0 : i32
    %c0_i32_0 = arith.constant 0 : i32
    %c0_i32_1 = arith.constant 0 : i32
    return %c0_i32, %c0_i32_0 : i32, i32
  }
  func.func @transform_5(%arg0: i32) -> (i32, i32) {
    %c0_i32 = arith.constant 0 : i32
    %c0_i32_0 = arith.constant 0 : i32
    return %c0_i32, %arg0 : i32, i32
  }
}

</mosaic_0001>

<sc_bundles>
// kernel: kernel.4.cloned.1.call-start
scs
__scs_entry_jumppad:
0x0: {  	(pc) =	sbr.rel $0x88, $3  }
0x1: {  	(tag) =	ssettag $0x0;
	lr =	simm.s32 $0x1  }
0x2: {  	[smem:$0x3F9C] =	sst lr;
	_ =	strace $0xD0000000  }
0x3: {  	_ = 	snop  }
0x4: {  	_ = 	snop  }
0x5: {  	_ = 	snop  }
0x6: {  	_ = 	snop  }
0x7: {  	_ = 	snop  }
__scs_overlays_trampoline_lowered:
0x8: {  	[smem:$0x3FAB] =	sst s0  }
0x9: {  	[smem:$0x3FAC] =	sst s1  }
0xa: {  	[smem:$0x3FAD] =	sst s2  }
0xb: {  	[smem:$0x3FAE] =	sst s3  }
0xc: {  	[smem:$0x3FAF] =	sst s4  }
0xd: {  	[smem:$0x3FB0] =	sst s5  }
0xe: {  	[smem:$0x3FB1] =	sst s6  }
0xf: {  	[smem:$0x3FB2] =	sst s7  }
0x10: {  	[smem:$0x3FB3] =	sst s8  }
0x11: {  	[smem:$0x3FB4] =	sst s9;
	s0 =	simm.s32 @!p0 $0x0  }
0x12: {  	s1 =	sld [smem:$0x3F9A];
	s0 =	simm.s32 @p0 $0x1  }
0x13: {  	[smem:$0x3FB5] =	sst s0;
	s0 =	simm.s32 @!p1 $0x0  }
0x14: {  	s2 =	sld [smem:$0x3F99];
	s0 =	simm.s32 @p1 $0x1  }
0x15: {  	[smem:$0x3FB6] =	sst s0;
	s0 =	simm.s32 @!p2 $0x0  }
0x16: {  	s3 =	sld [smem:$0x3FDB];
	s0 =	simm.s32 @p2 $0x1  }
0x17: {  	s4 =	simm.s32 $0x1BF5;
	[smem:$0x3FB8] =	sst s0  }
0x18: {  	s0 =	sld [smem:$0x3F9B];
	_ =	swait.ge [sflag:s4], $0x0  }
0x19: {  	s7 =	sld [smem:$0x3F9C]  }
0x1a: {  	s8 =	sadd.s32 $0xFFFFE003, lr  }
0x1b: {  	s9 =	sadd.s32 $0xFFFFFEF7, lr;
	s5 =	simm.s32 $0xFFFFFFFF;
	p2 =	slt.u32 s8, $0xFFFFF086  }
0x1c: {  	p1 =	slt.u32 s9, $0xF7A;
	s5 =	simm.s32 @!p2 $0x0  }
0x1d: {  	s5 =	simm.s32 @p1 $0x1;
	p0 =	seq.s32 s7, s2  }
0x1e: {  	s7 =	smul.u32 @!p0 $0xF7A, s2;
	p2 =	seq.s32 @!p0 s5, $0x0  }
0x1f: {  	s9 =	smul.u32 $0xF7A, s1;
	s8 =	simm.s32 @!p0 $0x1BF5;
	p2 =	por !p2, p0  }
0x20: {  	[sflag:s8] =	ssyncset.s32 @!p0 $0xFFFFF086;
	s6 =	sadd.s32 @!p0 s3, s7;
	s7 =	simm.s32 @!p0 $0x108  }
0x21: {  	s3 =	sadd.s32 s3, s9;
	s6 =	sadd.s32 @!p0 $0x88, s6;
	s7 =	simm.s32 @p2 $0x1082  }
0x22: {  	[simem:s7], [sflag:s8] =	dma.local @!p0 [hbm:s6], $0xF7A  }
0x23: {  	s9 =	sor.u32 $0xD0000000, s2;
	s6 =	simm.s32 $0x108;
	_ =	swait.ge @!p0 [sflag:s8], $0x0  }
0x24: {  	s3 =	sadd.s32 $0x88, s3;
	s6 =	simm.s32 @!p1 $0x1082;
	[sflag:s4] =	ssyncset.s32 $0xFFFFF086  }
0x25: {  	[simem:s6], [sflag:s4] =	dma.local [hbm:s3], $0xF7A  }
0x26: {  	[smem:$0x3F9C] =	sst s1;
	(tag) =	ssettag s2;
	_ =	strace s9  }
0x27: {  	s1 =	sld [smem:$0x3FAC]  }
0x28: {  	s2 =	sld [smem:$0x3FAD]  }
0x29: {  	s4 =	sld [smem:$0x3FAF]  }
0x2a: {  	p0 =	seq.s32 s5, $0x0;
	s5 =	sld [smem:$0x3FB0]  }
0x2b: {  	s6 =	sld [smem:$0x3FB1]  }
0x2c: {  	s7 =	sld [smem:$0x3FB2]  }
0x2d: {  	s3 =	simm.s32 $0x108;
	s8 =	sld [smem:$0x3FB3]  }
0x2e: {  	s3 =	simm.s32 @!p0 $0x1082;
	s9 =	sld [smem:$0x3FB4]  }
0x2f: {  	lr =	sadd.s32 s0, s3;
	s0 =	sld [smem:$0x3FAB]  }
0x30: {  	s3 =	sld [smem:$0x3FAE]  }
0x31: {  	[smem:$0x3FB7] =	sst s10  }
0x32: {  	s10 =	sld [smem:$0x3FB5];
	_ =	sdelay $0x3  }
0x33: {  	p0 =	seq.s32 s10, $0x1;
	s10 =	sld [smem:$0x3FB7];
	_ =	sdelay $0x3  }
0x34: {  	[smem:$0x3FB7] =	sst s10  }
0x35: {  	s10 =	sld [smem:$0x3FB6];
	_ =	sdelay $0x3  }
0x36: {  	p1 =	seq.s32 s10, $0x1;
	s10 =	sld [smem:$0x3FB7];
	_ =	sdelay $0x3  }
0x37: {  	[smem:$0x3FB7] =	sst s10  }
0x38: {  	s10 =	sld [smem:$0x3FB8]  }
0x39: {  	_ = 	snop;
	(pc) =	sbr.ind lr, $3  }
0x3a: {  	_ = 	snop  }
0x3b: {  	_ = 	snop  }
0x3c: {  	p2 =	seq.s32 s10, $0x1;
	s10 =	sld [smem:$0x3FB7]  }
0x3d: {  	_ =	shalt  }
0x3e: {  	_ =	shalt  }
0x3f: {  	_ =	shalt  }
0x40: {  	_ =	shalt  }
0x41: {  	_ =	shalt  }
0x42: {  	_ =	shalt  }
0x43: {  	_ =	shalt  }
0x44: {  	_ =	shalt  }
0x45: {  	_ =	shalt  }
0x46: {  	_ =	shalt  }
0x47: {  	_ =	shalt  }
0x48: {  	_ =	shalt  }
0x49: {  	_ =	shalt  }
0x4a: {  	_ =	shalt  }
0x4b: {  	_ =	shalt  }
0x4c: {  	_ =	shalt  }
0x4d: {  	_ =	shalt  }
0x4e: {  	_ =	shalt  }
0x4f: {  	_ =	shalt  }
0x50: {  	_ =	shalt  }
0x51: {  	_ =	shalt  }
0x52: {  	_ =	shalt  }
0x53: {  	_ =	shalt  }
0x54: {  	_ =	shalt  }
0x55: {  	_ =	shalt  }
0x56: {  	_ =	shalt  }
0x57: {  	_ =	shalt  }
0x58: {  	_ =	shalt  }
0x59: {  	_ =	shalt  }
0x5a: {  	_ =	shalt  }
0x5b: {  	_ =	shalt  }
0x5c: {  	_ =	shalt  }
0x5d: {  	_ =	shalt  }
0x5e: {  	_ =	shalt  }
0x5f: {  	_ =	shalt  }
0x60: {  	_ =	shalt  }
0x61: {  	_ =	shalt  }
0x62: {  	_ =	shalt  }
0x63: {  	_ =	shalt  }
0x64: {  	_ =	shalt  }
0x65: {  	_ =	shalt  }
0x66: {  	_ =	shalt  }
0x67: {  	_ =	shalt  }
0x68: {  	_ =	shalt  }
0x69: {  	_ =	shalt  }
0x6a: {  	_ =	shalt  }
0x6b: {  	_ =	shalt  }
0x6c: {  	_ =	shalt  }
0x6d: {  	_ =	shalt  }
0x6e: {  	_ =	shalt  }
0x6f: {  	_ =	shalt  }
0x70: {  	_ =	shalt  }
0x71: {  	_ =	shalt  }
0x72: {  	_ =	shalt  }
0x73: {  	_ =	shalt  }
0x74: {  	_ =	shalt  }
0x75: {  	_ =	shalt  }
0x76: {  	_ =	shalt  }
0x77: {  	_ =	shalt  }
0x78: {  	_ =	shalt  }
0x79: {  	_ =	shalt  }
0x7a: {  	_ =	shalt  }
0x7b: {  	_ =	shalt  }
0x7c: {  	_ =	shalt  }
0x7d: {  	_ =	shalt  }
0x7e: {  	_ =	shalt  }
0x7f: {  	_ =	shalt  }
0x80: {  	_ =	shalt  }
0x81: {  	_ =	shalt  }
0x82: {  	_ =	shalt  }
0x83: {  	_ =	shalt  }
0x84: {  	_ =	shalt  }
0x85: {  	_ =	shalt  }
0x86: {  	_ =	shalt  }
0x87: {  	_ =	shalt  }
.Lfunc_end0:
.L_simem_size_0:
called_computation_lowered:
.L_overlay_start_0:
0x88: {  	s2 =	sld [smem:$0x3FD9]  }
0x89: {  	s3 =	sld [smem:$0x3FFE];
	_ =	sdelay $0x1  }
0x8a: {  	s1 =	srdreg.scid  }
0x8b: {  	s0 =	sand.u32 $0x1, s1  }
0x8c: {  	s17 =	sshll.u32 s0, $0xA;
	s2 =	sadd.s32 s3, s2  }
0x8d: {  	s2 =	sadd.s32 s2, s17  }
0x8e: {  	[smem:$0x3FC3] =	sst s2  }
0x8f: {  	_ = 	snop  }
0x90: {  	s2 =	sld [smem:$0x3FD0];
	(tm) =	ssettm $0x1  }
0x91: {  	s18 =	sld [smem:$0x3FFB];
	_ =	sdelay $0x3  }
0x92: {  	_ =	strace s18  }
0x93: {  	s3 =	sld [smem:$0x3FFC];
	_ =	sdelay $0x3  }
0x94: {  	_ =	strace s3  }
0x95: {  	s3 =	sld [smem:$0x3FFD];
	_ =	sdelay $0x3  }
0x96: {  	_ =	strace s3  }
0x97: {  	_ =	strace $0x8FFFFFFF  }
0x98: {  	s19 =	sld [smem:$0x3FDB];
	_ =	sdelay $0x1  }
0x99: {  	s4 =	simm.s32 $_scs_section_size  }
0x9a: {  	s5 =	simm.s32 $_size__tile_overlayer_lowered;
	s6 =	simm.s32 $_tile_overlayer_lowered  }
0x9b: {  	s22 =	simm.s32 $0x1BFF;
	s21 =	sshll.u32 s6, $0x1;
	s3 =	sadd.s32 s4, s19  }
0x9c: {  	s7 =	simm.s32 $0x0;
	s20 =	sshll.u32 s5, $0x1;
	s5 =	sadd.s32 s21, s3  }
0x9d: {  	[timem:s7], [sflag:s22] =	dma.local [hbm:s5], s20  }
0x9e: {  	_ =	swait.ge [sflag:s22], s20  }
0x9f: {  	s4 =	ssub.s32 $0x0, s20;
	[sflag:s22] =	ssyncset.done $0x0  }
0xa0: {  	[sflag:s22] =	ssyncadd.s32 s4;
	_ =	sdelay $0x1  }
0xa1: {  	s23 =	simm.s32 $0x1B8B  }
0xa2: {  	_ =	swait.ge [sflag:s23], $0x1  }
0xa3: {  	[sflag:s23] =	ssyncset.done $0x0  }
0xa4: {  	s25 =	simm.s32 $0x1B8E;
	s24 =	sld [smem:$0x3FFE];
	[sflag:s23] =	ssyncadd.s32 $0xFFFFFFFF  }
0xa5: {  	s26 =	simm.s32 $execute0_lowered;
	[smem:$0x3FD2] =	sst s25  }
0xa6: {  	s5 =	sshll.u32 s26, $0x1;
	_ =	strace $0x80000046;
	[dreg:$0x1] =	wrdreg $0xFFFFFFFF  }
0xa7: {  	s28 =	simm.s32 $_size_execute0_lowered;
	s3 =	sadd.s32 s3, s5;
	[dreg:$0x0] =	wrdreg $0x0  }
0xa8: {  	s5 =	sshll.u32 s28, $0x1;
	[dreg:$0x2] =	wrdreg s3  }
0xa9: {  	[dreg:$0x3] =	wrdreg s5  }
0xaa: {  	[dreg:$0x4] =	wrdreg $0xC0  }
0xab: {  	_ =	task [dreg:s7], $0x5FFFF  }
0xac: {  	[dreg:$0x1] =	wrdreg $0xFFFFFFFF  }
0xad: {  	[dreg:$0x0] =	wrdreg $0x60  }
0xae: {  	[dreg:$0x2] =	wrdreg s24  }
0xaf: {  	[dreg:$0x3] =	wrdreg s2  }
0xb0: {  	[dreg:$0x4] =	wrdreg $0x9  }
0xb1: {  	_ =	task.clear_ibuf [dreg:s7], $0x5FFFF;
	_ =	strace $0x90000046  }
0xb2: {  	s29 =	simm.s32 $0x9;
	_ =	strace $0x80000048  }
0xb3: {  	_ =	swait.ge [sflag:s29], $0x1  }
0xb4: {  	[sflag:s29] =	ssyncadd.s32 $0xFFFFFFFF  }
0xb5: {  	_ =	strace $0x90000048  }
0xb6: {  	_ =	sfence  }
0xb7: {  	s30 =	sld [smem:$0x0];
	_ =	sdelay $0x2  }
0xb8: {  	s31 =	sshll.u32 s1, $0xD;
	s1 =	sshrl.u32 s1, $0x2  }
0xb9: {  	s3 =	sand.u32 $0x4000, s31;
	s1 =	sadd.s32 s1, s30  }
0xba: {  	s0 =	sor.u32 s3, s0;
	s1 =	sshll.u32 s1, $0x11  }
0xbb: {  	s0 =	sor.u32 s1, s0  }
0xbc: {  	s0 =	sadd.s32 $0x8F2B, s0  }
0xbd: {  	[sflag:s0] =	ssyncadd.remote.s32 $0x1  }
0xbe: {  	_ =	sfence.sel $0xFFFF  }
0xbf: {  	[dreg:$0x0] =	wrdreg $0xFFFFFFFF;
	(pc) =	sbr.abs _section_cstart, $3  }
0xc0: {  	[dreg:$0x1] =	wrdreg $0xFFFFFFFF  }
0xc1: {  	_ =	task.clear_ibuf [dreg:s7], $0x2FFFF;
	_ =	strace $0x9FFFFFFF  }
0xc2: {  	(tm) =	ssettm $0x7FFFFFFF  }
0xc3: {  	_ =	shalt  }
tec
execute0_lowered:
.L_overlay_start_1:
0x0: {  	(tag) =	ssettag $0x1  }
0x1: {  	s0 =	rddreg [dreg:$0x0]  }
0x2: {  	s1 =	rddreg [dreg:$0x1];
	s3 =	srdreg.scid;
	s2 =	simm.s32 $0x0  }
0x3: {  	s4 =	stileid.u32;
	s21 =	simm.s32 $0x80;
	s22 =	simm.s32 $0x400  }
0x4: {  	s24 =	simm.s32 $0xD00;
	s25 =	simm.s32 $0xE00;
	s28 =	simm.s32 $0x1  }
0x5: {  	s29 =	simm.s32 $0x1000;
	s30 =	simm.s32 $0x2;
	s3 =	sand.u32 $0x1, s3  }
0x6: {  	s31 =	simm.s32 $0x0;
	s4 =	sshll.u32 s4, $0x9;
	s5 =	sshll.u32 s3, $0x8  }
0x7: {  	[smem:$0x7FF] =	sst s2;
	s3 =	ssub.s32 $0x2, s3;
	s17 =	sor.u32 s5, s4  }
0x8: {  	_ =	strace $0x80000047;
	s26 =	sshrl.u32 s3, $0x1;
	s0 =	sadd.s32 s17, s0  }
0x9: {  	s20 =	ssub.s32 s3, s26;
	s19 =	sshrl.u32 s17, $0x3;
	s26 =	simm.s32 $0xF00  }
0xa: {  	s3 =	sadd.s32 $0xC00, s0;
	s4 =	sadd.s32 $0xC10, s0;
	s5 =	sadd.s32 $0xC20, s0  }
0xb: {  	s6 =	sadd.s32 $0xC30, s0;
	s7 =	sadd.s32 $0xC40, s0;
	s8 =	sadd.s32 $0xC50, s0  }
0xc: {  	v0 =	vlaneseq.u32;
	s9 =	sadd.s32 $0xC60, s0;
	s10 =	sadd.s32 $0xC70, s0;
	s11 =	sadd.s32 $0x2C00, s0  }
0xd: {  	v8 =	vimm.s32 $0x800;
	v1 =	vor.u32 $0x100, v0;
	s12 =	sadd.s32 $0x2C10, s0;
	s13 =	sadd.s32 $0x2C20, s0;
	s14 =	sadd.s32 $0x2C30, s0  }
0xe: {  	v2 =	vor.u32 $0x200, v0;
	v3 =	vor.u32 $0x300, v0;
	v4 =	vor.u32 $0x400, v0;
	s15 =	sadd.s32 $0x2C40, s0;
	s16 =	sadd.s32 $0x2C50, s0;
	s17 =	sadd.s32 $0x2C60, s0  }
0xf: {  	v5 =	vor.u32 $0x500, v0;
	v6 =	vor.u32 $0x600, v0;
	v7 =	vor.u32 $0x700, v0;
	s18 =	sadd.s32 $0x2C70, s0;
	s19 =	sadd.s32 s1, s19;
	s20 =	smax.u32 s20, $0x1  }
.LBB2_1:
0x10: {  	[tilespmem:s2], [sflag:$0x1] =	stream.strided.gather [hbm4b:s3+s21], $0x100, s22, s21, $0x38;
	[tilespmem:$0x1100] =	vst v63  }
0x11: {  	s0 =	simm.s32 $0x100  }
0x12: {  	[tilespmem:s0], [sflag:$0x1] =	stream.strided.gather [hbm4b:s4+s21], $0x100, s22, s21, $0x38;
	[tilespmem:$0x1100] =	vst v63  }
0x13: {  	s23 =	simm.s32 $0x200  }
0x14: {  	[tilespmem:s23], [sflag:$0x1] =	stream.strided.gather [hbm4b:s5+s21], $0x100, s22, s21, $0x38;
	[tilespmem:$0x1100] =	vst v63  }
0x15: {  	s1 =	simm.s32 $0x300  }
0x16: {  	[tilespmem:s1], [sflag:$0x1] =	stream.strided.gather [hbm4b:s6+s21], $0x100, s22, s21, $0x38;
	[tilespmem:$0x1100] =	vst v63  }
0x17: {  	_ = 	snop  }
0x18: {  	[tilespmem:s22], [sflag:$0x1] =	stream.strided.gather [hbm4b:s7+s21], $0x100, s22, s21, $0x38;
	[tilespmem:$0x1100] =	vst v63  }
0x19: {  	s23 =	simm.s32 $0x500  }
0x1a: {  	[tilespmem:s23], [sflag:$0x1] =	stream.strided.gather [hbm4b:s8+s21], $0x100, s22, s21, $0x38;
	[tilespmem:$0x1100] =	vst v63  }
0x1b: {  	s1 =	simm.s32 $0x600  }
0x1c: {  	[tilespmem:s1], [sflag:$0x1] =	stream.strided.gather [hbm4b:s9+s21], $0x100, s22, s21, $0x38;
	[tilespmem:$0x1100] =	vst v63  }
0x1d: {  	s23 =	simm.s32 $0x700  }
0x1e: {  	[tilespmem:s23], [sflag:$0x1] =	stream.strided.gather [hbm4b:s10+s21], $0x100, s22, s21, $0x38;
	[tilespmem:$0x1100] =	vst v63  }
0x1f: {  	s1 =	simm.s32 $0x800  }
0x20: {  	[tilespmem:s1], [sflag:$0x1] =	stream.strided.gather [hbm4b:s11+s21], $0x100, s22, s21, $0x38;
	[tilespmem:$0x1100] =	vst v63  }
0x21: {  	s23 =	simm.s32 $0x900  }
0x22: {  	[tilespmem:s23], [sflag:$0x1] =	stream.strided.gather [hbm4b:s12+s21], $0x100, s22, s21, $0x38;
	[tilespmem:$0x1100] =	vst v63  }
0x23: {  	s1 =	simm.s32 $0xA00  }
0x24: {  	[tilespmem:s1], [sflag:$0x1] =	stream.strided.gather [hbm4b:s13+s21], $0x100, s22, s21, $0x38;
	[tilespmem:$0x1100] =	vst v63  }
0x25: {  	s23 =	simm.s32 $0xB00  }
0x26: {  	[tilespmem:s23], [sflag:$0x1] =	stream.strided.gather [hbm4b:s14+s21], $0x100, s22, s21, $0x38;
	[tilespmem:$0x1100] =	vst v63  }
0x27: {  	s1 =	simm.s32 $0xC00  }
0x28: {  	[tilespmem:s1], [sflag:$0x1] =	stream.strided.gather [hbm4b:s15+s21], $0x100, s22, s21, $0x38;
	[tilespmem:$0x1100] =	vst v63  }
0x29: {  	_ = 	snop  }
0x2a: {  	[tilespmem:s24], [sflag:$0x1] =	stream.strided.gather [hbm4b:s16+s21], $0x100, s22, s21, $0x38;
	[tilespmem:$0x1100] =	vst v63  }
0x2b: {  	_ = 	snop  }
0x2c: {  	[tilespmem:s25], [sflag:$0x1] =	stream.strided.gather [hbm4b:s17+s21], $0x100, s22, s21, $0x38;
	[tilespmem:$0x1100] =	vst v63  }
0x2d: {  	_ = 	snop  }
0x2e: {  	[tilespmem:s26], [sflag:$0x1] =	stream.strided.gather [hbm4b:s18+s21], $0x100, s22, s21, $0x38;
	[tilespmem:$0x1100] =	vst v63  }
0x2f: {  	_ =	swait.ge [sflag:s28], $0x100  }
0x30: {  	[sflag:s28] =	ssyncset.done $0x0  }
0x31: {  	[sflag:s28] =	ssyncadd.s32 $0xFFFFFF00  }
0x32: {  	_ =	swait.ge [sflag:s28], $0x100  }
0x33: {  	[sflag:s28] =	ssyncset.done $0x0  }
0x34: {  	[sflag:s28] =	ssyncadd.s32 $0xFFFFFF00  }
0x35: {  	_ =	swait.ge [sflag:s28], $0x100  }
0x36: {  	[sflag:s28] =	ssyncset.done $0x0  }
0x37: {  	[sflag:s28] =	ssyncadd.s32 $0xFFFFFF00  }
0x38: {  	_ =	swait.ge [sflag:s28], $0x100  }
0x39: {  	[sflag:s28] =	ssyncset.done $0x0  }
0x3a: {  	[sflag:s28] =	ssyncadd.s32 $0xFFFFFF00  }
0x3b: {  	_ =	swait.ge [sflag:s28], $0x100  }
0x3c: {  	[sflag:s28] =	ssyncset.done $0x0  }
0x3d: {  	[sflag:s28] =	ssyncadd.s32 $0xFFFFFF00  }
0x3e: {  	_ =	swait.ge [sflag:s28], $0x100  }
0x3f: {  	[sflag:s28] =	ssyncset.done $0x0  }
0x40: {  	[sflag:s28] =	ssyncadd.s32 $0xFFFFFF00  }
0x41: {  	_ =	swait.ge [sflag:s28], $0x100  }
0x42: {  	[sflag:s28] =	ssyncset.done $0x0  }
0x43: {  	[sflag:s28] =	ssyncadd.s32 $0xFFFFFF00  }
0x44: {  	_ =	swait.ge [sflag:s28], $0x100  }
0x45: {  	[sflag:s28] =	ssyncset.done $0x0  }
0x46: {  	[sflag:s28] =	ssyncadd.s32 $0xFFFFFF00  }
0x47: {  	_ =	swait.ge [sflag:s28], $0x100  }
0x48: {  	[sflag:s28] =	ssyncset.done $0x0  }
0x49: {  	[sflag:s28] =	ssyncadd.s32 $0xFFFFFF00  }
0x4a: {  	_ =	swait.ge [sflag:s28], $0x100  }
0x4b: {  	[sflag:s28] =	ssyncset.done $0x0  }
0x4c: {  	[sflag:s28] =	ssyncadd.s32 $0xFFFFFF00  }
0x4d: {  	_ =	swait.ge [sflag:s28], $0x100  }
0x4e: {  	[sflag:s28] =	ssyncset.done $0x0  }
0x4f: {  	[sflag:s28] =	ssyncadd.s32 $0xFFFFFF00  }
0x50: {  	_ =	swait.ge [sflag:s28], $0x100  }
0x51: {  	[sflag:s28] =	ssyncset.done $0x0  }
0x52: {  	[sflag:s28] =	ssyncadd.s32 $0xFFFFFF00  }
0x53: {  	_ =	swait.ge [sflag:s28], $0x100  }
0x54: {  	[sflag:s28] =	ssyncset.done $0x0  }
0x55: {  	[sflag:s28] =	ssyncadd.s32 $0xFFFFFF00  }
0x56: {  	_ =	swait.ge [sflag:s28], $0x100  }
0x57: {  	[sflag:s28] =	ssyncset.done $0x0  }
0x58: {  	[sflag:s28] =	ssyncadd.s32 $0xFFFFFF00  }
0x59: {  	_ =	swait.ge [sflag:s28], $0x100  }
0x5a: {  	v9 =	vor.u32 s2, v1;
	[sflag:s28] =	ssyncset.done $0x0  }
0x5b: {  	v10 =	vor.u32 s2, v0;
	[sflag:s28] =	ssyncadd.s32 $0xFFFFFF00  }
0x5c: {  	_ =	swait.ge [sflag:s28], $0x100  }
0x5d: {  	v11 =	vor.u32 s2, v2;
	[sflag:s28] =	ssyncset.done $0x0  }
0x5e: {  	[sflag:s28] =	ssyncadd.s32 $0xFFFFFF00  }
0x5f: {  	v12 =	vor.u32 s2, v3;
	v9 =	vld.idx.msk [tilespmem:v9+s2+$0x0], $0xffff  }
0x60: {  	v13 =	vld.idx.msk [tilespmem:v10+s2+$0x0], $0xffff  }
0x61: {  	v14 =	vor.u32 s2, v4  }
0x62: {  	v11 =	vld.idx.msk [tilespmem:v11+s2+$0x0], $0xffff  }
0x63: {  	v15 =	vor.u32 s2, v5  }
0x64: {  	v12 =	vld.idx.msk [tilespmem:v12+s2+$0x0], $0xffff  }
0x65: {  	v16 =	vor.u32 s2, v6;
	vm0 =	vlt.f32 v9, v13  }
0x66: {  	v14 =	vld.idx.msk [tilespmem:v14+s2+$0x0], $0xffff;
	v9 =	vsel vm0, v9, v13  }
0x67: {  	v52 =	vor.u32 s2, v7;
	vm1 =	vlt.f32 v11, v9  }
0x68: {  	v15 =	vld.idx.msk [tilespmem:v15+s2+$0x0], $0xffff;
	v9 =	vsel vm1, v11, v9  }
0x69: {  	vm2 =	vlt.f32 v12, v9  }
0x6a: {  	v11 =	vld.idx.msk [tilespmem:v16+s2+$0x0], $0xffff;
	v9 =	vsel vm2, v12, v9  }
0x6b: {  	vm3 =	vlt.f32 v14, v9  }
0x6c: {  	v53 =	vld.idx.msk [tilespmem:v52+s2+$0x0], $0xffff;
	v54 =	vsel vm0, $0x900, v8;
	v9 =	vsel vm3, v14, v9  }
0x6d: {  	v13 =	vsel vm1, $0xA00, v54;
	vm6 =	vlt.f32 v15, v9  }
0x6e: {  	v13 =	vsel vm2, $0xB00, v13;
	v9 =	vsel vm6, v15, v9  }
0x6f: {  	v13 =	vsel vm3, $0xC00, v13;
	vm7 =	vlt.f32 v11, v9  }
0x70: {  	v9 =	vsel vm7, v11, v9;
	v11 =	vsel vm6, $0xD00, v13  }
0x71: {  	vm8 =	vlt.f32 v53, v9;
	v9 =	vsel vm7, $0xE00, v11  }
0x72: {  	v9 =	vsel vm8, $0xF00, v9  }
0x73: {  	v9 =	vadd.s32 v10, v9;
	_ =	sdelay $0x4  }
0x74: {  	s23 =	simm.s32 $0x10;
	v9 =	vld.idx.msk [tilespmem:v9+s2+$0x0], $0xffff  }
0x75: {  	v10 =	vor.u32 s23, v1  }
0x76: {  	v11 =	vor.u32 s23, v0;
	_ =	sdelay $0x1  }
0x77: {  	v55 =	vor.u32 s23, v2  }
0x78: {  	[tilespmem:s29+$0x0] =	vst v9  }
0x79: {  	v9 =	vld.idx.msk [tilespmem:v10+s2+$0x0], $0xffff;
	v10 =	vor.u32 s23, v3  }
0x7a: {  	v56 =	vld.idx.msk [tilespmem:v11+s2+$0x0], $0xffff  }
0x7b: {  	v57 =	vor.u32 s23, v4  }
0x7c: {  	v12 =	vld.idx.msk [tilespmem:v55+s2+$0x0], $0xffff  }
0x7d: {  	v58 =	vor.u32 s23, v5  }
0x7e: {  	v10 =	vld.idx.msk [tilespmem:v10+s2+$0x0], $0xffff  }
0x7f: {  	v59 =	vor.u32 s23, v6;
	vm9 =	vlt.f32 v9, v56  }
0x80: {  	v14 =	vld.idx.msk [tilespmem:v57+s2+$0x0], $0xffff;
	v9 =	vsel vm9, v9, v56  }
0x81: {  	v60 =	vor.u32 s23, v7;
	vm10 =	vlt.f32 v12, v9  }
0x82: {  	v15 =	vld.idx.msk [tilespmem:v58+s2+$0x0], $0xffff;
	v9 =	vsel vm10, v12, v9  }
0x83: {  	vm11 =	vlt.f32 v10, v9  }
0x84: {  	v61 =	vld.idx.msk [tilespmem:v59+s2+$0x0], $0xffff;
	v9 =	vsel vm11, v10, v9  }
0x85: {  	vm12 =	vlt.f32 v14, v9  }
0x86: {  	v62 =	vsel vm9, $0x900, v8;
	v10 =	vld.idx.msk [tilespmem:v60+s2+$0x0], $0xffff;
	v9 =	vsel vm12, v14, v9  }
0x87: {  	v13 =	vsel vm10, $0xA00, v62;
	vm13 =	vlt.f32 v15, v9  }
0x88: {  	v13 =	vsel vm11, $0xB00, v13;
	v9 =	vsel vm13, v15, v9  }
0x89: {  	v13 =	vsel vm12, $0xC00, v13;
	vm14 =	vlt.f32 v61, v9  }
0x8a: {  	v63 =	vsel vm13, $0xD00, v13;
	v9 =	vsel vm14, v61, v9  }
0x8b: {  	vm15 =	vlt.f32 v10, v9;
	v9 =	vsel vm14, $0xE00, v63  }
0x8c: {  	v9 =	vsel vm15, $0xF00, v9  }
0x8d: {  	v9 =	vadd.s32 v11, v9;
	_ =	sdelay $0x4  }
0x8e: {  	s0 =	simm.s32 $0x20;
	v10 =	vld.idx.msk [tilespmem:v9+s2+$0x0], $0xffff  }
0x8f: {  	v11 =	vor.u32 s0, v1  }
0x90: {  	s1 =	simm.s32 $0x1000;
	s23 =	simm.s32 $0x30;
	v9 =	vor.u32 s0, v0  }
.LBB2_2:
0x91: {  	p0 =	sne.s32 s23, $0xF0  }
0x92: {  	v12 =	vor.u32 s0, v2;
	s1 =	sadd.s32 $0x10, s1  }
0x93: {  	[tilespmem:s1+$0x0] =	vst v10  }
0x94: {  	v10 =	vld.idx.msk [tilespmem:v11+s2+$0x0], $0xffff;
	v11 =	vor.u32 s0, v3  }
0x95: {  	v13 =	vld.idx.msk [tilespmem:v9+s2+$0x0], $0xffff  }
0x96: {  	v14 =	vor.u32 s0, v4  }
0x97: {  	v12 =	vld.idx.msk [tilespmem:v12+s2+$0x0], $0xffff  }
0x98: {  	v15 =	vor.u32 s0, v5  }
0x99: {  	v11 =	vld.idx.msk [tilespmem:v11+s2+$0x0], $0xffff  }
0x9a: {  	v16 =	vor.u32 s0, v6  }
0x9b: {  	vm0 =	vlt.f32 v10, v13;
	v14 =	vld.idx.msk [tilespmem:v14+s2+$0x0], $0xffff  }
0x9c: {  	v10 =	vsel vm0, v10, v13;
	v13 =	vor.u32 s0, v7;
	s0 =	smov.u32 s23  }
0x9d: {  	vm1 =	vlt.f32 v12, v10;
	v15 =	vld.idx.msk [tilespmem:v15+s2+$0x0], $0xffff  }
0x9e: {  	v10 =	vsel vm1, v12, v10  }
0x9f: {  	vm2 =	vlt.f32 v11, v10;
	v12 =	vld.idx.msk [tilespmem:v16+s2+$0x0], $0xffff  }
0xa0: {  	v10 =	vsel vm2, v11, v10  }
0xa1: {  	vm3 =	vlt.f32 v14, v10;
	v11 =	vld.idx.msk [tilespmem:v13+s2+$0x0], $0xffff  }
0xa2: {  	v10 =	vsel vm3, v14, v10;
	v13 =	vsel vm0, $0x900, v8  }
0xa3: {  	vm0 =	vlt.f32 v15, v10;
	v13 =	vsel vm1, $0xA00, v13  }
0xa4: {  	v10 =	vsel vm0, v15, v10;
	v13 =	vsel vm2, $0xB00, v13  }
0xa5: {  	vm1 =	vlt.f32 v12, v10;
	v13 =	vsel vm3, $0xC00, v13  }
0xa6: {  	v10 =	vsel vm1, v12, v10;
	v12 =	vsel vm0, $0xD00, v13  }
0xa7: {  	vm0 =	vlt.f32 v11, v10;
	v10 =	vsel vm1, $0xE00, v12  }
0xa8: {  	v10 =	vsel vm0, $0xF00, v10  }
0xa9: {  	v9 =	vadd.s32 v9, v10;
	_ =	sdelay $0x3  }
.Ltmp0:
0xaa: {  	(pc) =	sbr.rel @p0 .LBB2_2-.Ltmp0, $3  }
0xab: {  	v10 =	vld.idx.msk [tilespmem:v9+s2+$0x0], $0xffff;
	_ =	sdelay $0x1  }
0xac: {  	v11 =	vor.u32 s23, v1  }
0xad: {  	s23 =	sadd.s32 $0x10, s23;
	v9 =	vor.u32 s0, v0  }
0xae: {  	_ =	sdelay $0x1  }
0xaf: {  	v12 =	vor.u32 s0, v2;
	s1 =	sadd.s32 $0x10, s1  }
0xb0: {  	[tilespmem:s1+$0x0] =	vst v10  }
0xb1: {  	v10 =	vld.idx.msk [tilespmem:v11+s2+$0x0], $0xffff;
	v11 =	vor.u32 s0, v3  }
0xb2: {  	v13 =	vld.idx.msk [tilespmem:v9+s2+$0x0], $0xffff  }
0xb3: {  	v14 =	vor.u32 s0, v4  }
0xb4: {  	v12 =	vld.idx.msk [tilespmem:v12+s2+$0x0], $0xffff  }
0xb5: {  	v15 =	vor.u32 s0, v5  }
0xb6: {  	v11 =	vld.idx.msk [tilespmem:v11+s2+$0x0], $0xffff  }
0xb7: {  	v16 =	vor.u32 s0, v6;
	vm0 =	vlt.f32 v10, v13  }
0xb8: {  	v14 =	vld.idx.msk [tilespmem:v14+s2+$0x0], $0xffff;
	v10 =	vsel vm0, v10, v13  }
0xb9: {  	v60 =	vor.u32 s0, v7;
	vm1 =	vlt.f32 v12, v10  }
0xba: {  	v15 =	vld.idx.msk [tilespmem:v15+s2+$0x0], $0xffff;
	v10 =	vsel vm1, v12, v10  }
0xbb: {  	vm2 =	vlt.f32 v11, v10  }
0xbc: {  	v61 =	vld.idx.msk [tilespmem:v16+s2+$0x0], $0xffff;
	v10 =	vsel vm2, v11, v10  }
0xbd: {  	vm3 =	vlt.f32 v14, v10  }
0xbe: {  	v62 =	vsel vm0, $0x900, v8;
	v11 =	vld.idx.msk [tilespmem:v60+s2+$0x0], $0xffff;
	v10 =	vsel vm3, v14, v10  }
0xbf: {  	v13 =	vsel vm1, $0xA00, v62;
	vm13 =	vlt.f32 v15, v10  }
0xc0: {  	v13 =	vsel vm2, $0xB00, v13;
	v10 =	vsel vm13, v15, v10  }
0xc1: {  	v13 =	vsel vm3, $0xC00, v13;
	vm14 =	vlt.f32 v61, v10  }
0xc2: {  	v63 =	vsel vm13, $0xD00, v13;
	v10 =	vsel vm14, v61, v10  }
0xc3: {  	vm15 =	vlt.f32 v11, v10;
	v10 =	vsel vm14, $0xE00, v63  }
0xc4: {  	v10 =	vsel vm15, $0xF00, v10  }
0xc5: {  	v9 =	vadd.s32 v9, v10;
	_ =	sdelay $0x4  }
0xc6: {  	v9 =	vld.idx.msk [tilespmem:v9+s2+$0x0], $0xffff;
	_ =	sdelay $0x2  }
0xc7: {  	s31 =	sadd.s32 $0x1, s31  }
0xc8: {  	s23 =	sadd.s32 $0x10, s1;
	p0 =	sne.s32 s31, s20  }
.Ltmp1:
0xc9: {  	[tilespmem:s23+$0x0] =	vst v9;
	(pc) =	sbr.rel @p0 .LBB2_1-.Ltmp1, $4  }
0xca: {  	[hbm4b:s19+s2] =	stream.linear.scatter [tilespmem:s29], [sflag:$0x2], $0x100, $0x38;
	[tilespmem:$0x1100] =	vst v63  }
0xcb: {  	_ =	swait.ge [sflag:s30], $0x100  }
0xcc: {  	[sflag:s30] =	ssyncset.done $0x0  }
0xcd: {  	[sflag:s30] =	ssyncadd.s32 $0xFFFFFF00  }
0xce: {  	_ =	sfence.sel $0x180000  }
0xcf: {  	[bflag:$0x0] =	sbarrier.arrive $0xFFFF  }
0xd0: {  	_ =	strace $0x90000047  }
0xd1: {  	s0 =	stileid.u32;
	[bflag:$0x2] =	sbarrier.arrive $0xFFFF  }
0xd2: {  	p0 =	sne.s32 s0, $0x0;
	s0 =	rddreg [dreg:$0x2]  }
0xd3: {  	s0 =	sadd.s32 @!p0 $0x100000, s0  }
0xd4: {  	[sflag:s0] =	ssyncadd.tile.s32 @!p0 $0x1;
	_ =	shalt  }
.Lfunc_end2:
_tile_overlayer_lowered:
.L_overlay_start_2:
0xd5: {  	(tag) =	ssettag $0x2  }
0xd6: {  	s0 =	rddreg [dreg:$0x0];
	s2 =	stileid.u32  }
0xd7: {  	s1 =	rddreg [dreg:$0x1];
	p0 =	sne.s32 s2, $0x0  }
0xd8: {  	s3 =	rddreg [dreg:$0x2];
	[bflag:$0x3] =	sbarrier.arrive $0xFFFF;
	s2 =	simm.s32 @!p0 $0x1C02  }
0xd9: {  	[timem:s3], [sflag:s2] =	dma.local @!p0 [hbm:s0], s1  }
0xda: {  	s0 =	simm.s32 @!p0 $0x2  }
0xdb: {  	_ =	swait.ge @!p0 [sflag:s0], s1  }
0xdc: {  	s1 =	ssub.s32 @!p0 $0x0, s1;
	[sflag:s0] =	ssyncset.done @!p0 $0x0  }
0xdd: {  	[sflag:s0] =	ssyncadd.s32 @!p0 s1  }
0xde: {  	[bflag:$0x3] =	sbarrier.arrive $0xFFFF  }
0xdf: {  	_ =	shalt  }

</sc_bundles>
